<compile_context>
chip_gen: v7x
topology: tpu7x:2x2x1
jax: 0.10.2.dev20260603
libtpu: 0.0.44.dev20260713+nightly
codegen_flags: <defaults>
</compile_context>

<pallas_src>
import functools

import jax
import jax.numpy as jnp
from jax import lax
from jax.experimental import pallas as pl
from jax.experimental.pallas import tpu as pltpu
from jax.experimental.pallas import tpu_sc as plsc

VOCAB = 1000000
DIM = 64
B = 4096
L = 200

NC = 2
NS = 16
NW = NC * NS
BPW = B // NW
NCHUNK = 2
CH = L // NCHUNK
CHP = 128
LANES = 16
NBUF = 2
UNROLL = 4
RB = 16384


def _build_convert_kernel():
  def body(wt_ref, out_ref):
    blk = wt_ref[...].T
    out_ref[...] = jnp.concatenate([blk, blk], axis=1)

  return pl.pallas_call(
      body,
      grid=(pl.cdiv(VOCAB, RB),),
      in_specs=[pl.BlockSpec((DIM, RB), lambda i: (0, i))],
      out_specs=pl.BlockSpec((RB, 2 * DIM), lambda i: (i, 0)),
      out_shape=jax.ShapeDtypeStruct((VOCAB, 2 * DIM), jnp.float32),
  )


def _build_gather_kernel():
  mesh = plsc.VectorSubcoreMesh(core_axis_name="c", subcore_axis_name="s")

  @functools.partial(
      pl.kernel,
      mesh=mesh,
      compiler_params=pltpu.CompilerParams(
          use_tc_tiling_on_sc=True, needs_layout_passes=False),
      out_type=jax.ShapeDtypeStruct((B, 2 * DIM), jnp.float32),
      scratch_types=[
          pltpu.VMEM((NCHUNK * BPW, CHP), jnp.int32),
          pltpu.VMEM((BPW,), jnp.float32),
          pltpu.VMEM((NBUF, L, 2 * DIM), jnp.float32),
          pltpu.VMEM((BPW, 2 * DIM), jnp.float32),
          pltpu.SemaphoreType.DMA,
          pltpu.SemaphoreType.DMA,
          pltpu.SemaphoreType.DMA,
      ],
  )
  def k2(q_hbm, len_hbm, wd_hbm, out_hbm,
         idx_v, len_v, rows_v, out_v, *sems):
    wid = lax.axis_index("s") * NC + lax.axis_index("c")
    base = wid * BPW

    pltpu.sync_copy(q_hbm.at[pl.ds(NCHUNK * base, NCHUNK * BPW)], idx_v)
    pltpu.sync_copy(len_hbm.at[pl.ds(base, BPW)], len_v)

    def start_gather(b, j):
      pltpu.async_copy(
          wd_hbm.at[idx_v.at[NCHUNK * b, pl.ds(0, CH)]],
          rows_v.at[j, pl.ds(0, CH)], sems[j])
      pltpu.async_copy(
          wd_hbm.at[idx_v.at[NCHUNK * b + 1, pl.ds(0, CH)]],
          rows_v.at[j, pl.ds(CH, CH)], sems[j])

    def wait_gather(j):
      pltpu.make_async_copy(
          wd_hbm.at[pl.ds(0, L)], rows_v.at[j], sems[j]).wait()

    for j in range(NBUF):
      start_gather(j, j)

    def group_body(g, _):
      for j in range(NBUF):
        b = g * NBUF + j
        wait_gather(j)

        zero = jnp.zeros((LANES,), jnp.float32)

        def red(i, accs):
          a0, a1, a2, a3 = accs
          l0 = i * UNROLL
          for r in range(UNROLL):
            a0 = a0 + rows_v[j, l0 + r, pl.ds(0 * LANES, LANES)]
            a1 = a1 + rows_v[j, l0 + r, pl.ds(1 * LANES, LANES)]
            a2 = a2 + rows_v[j, l0 + r, pl.ds(2 * LANES, LANES)]
            a3 = a3 + rows_v[j, l0 + r, pl.ds(3 * LANES, LANES)]
          return (a0, a1, a2, a3)

        a0, a1, a2, a3 = lax.fori_loop(
            0, L // UNROLL, red, (zero, zero, zero, zero))

        start_gather(jnp.minimum(b + NBUF, BPW - 1), j)

        grp = (b // LANES) * LANES
        lv = len_v[pl.ds(grp, LANES)]
        lenb = lax.gather(
            lv, jnp.full((LANES, 1), b - grp, jnp.int32),
            lax.GatherDimensionNumbers(
                offset_dims=(), collapsed_slice_dims=(0,),
                start_index_map=(0,)),
            (1,), mode=lax.GatherScatterMode.PROMISE_IN_BOUNDS)
        inv = 1.0 / lenb
        out_v[b, pl.ds(0 * LANES, LANES)] = a0 * inv
        out_v[b, pl.ds(1 * LANES, LANES)] = a1 * inv
        out_v[b, pl.ds(2 * LANES, LANES)] = a2 * inv
        out_v[b, pl.ds(3 * LANES, LANES)] = a3 * inv
      return 0

    lax.fori_loop(0, BPW // NBUF, group_body, 0)

    for j in range(NBUF):
      wait_gather(j)

    pltpu.sync_copy(out_v, out_hbm.at[pl.ds(base, BPW)])

  return k2


_convert = _build_convert_kernel()
_gather = _build_gather_kernel()


def kernel(query, query_length, W):
  q = query.reshape(NCHUNK * B, CH)
  q = jnp.pad(q, ((0, 0), (0, CHP - CH)))
  lens = query_length.astype(jnp.float32)
  wd = _convert(W.T)
  out = _gather(q, lens, wd)
  return out[:, :DIM]

# --- scband reference (transcript-rebuilt; emitter-appended) ---
"""Pipeline reference for scband-text-bo-wpooled-encoder-38431367365209 (READ-ONLY COPY).

The authoritative reference and input builder live on the scoring server;
editing this copy changes nothing except your own understanding.
"""

import jax, jax.numpy as jnp
import numpy as np

VOCAB = 1000000
DIM = 64
B = 4096
L = 200


def setup_inputs(seed: int = 0) -> dict:
    key = jax.random.key(seed)
    k1, k2, k3 = jax.random.split(key, 3)
    query = jax.random.randint(k1, (B, L), 0, VOCAB, dtype=jnp.int32)
    # lengths in [1, L] to avoid divide-by-zero in mean pooling
    query_length = jax.random.randint(k2, (B,), 1, L + 1, dtype=jnp.int32)
    W = jax.random.normal(k3, (VOCAB, DIM), dtype=jnp.float32) * 0.02
    return {"query": query, "query_length": query_length, "W": W}


def reference(query, query_length, W):
    # EmbeddingsStack with a single lookup-table embedding: gather rows
    embedded = jnp.take(W, query, axis=0)  # [B, L, D]
    # MeanPool1D (baseline semantics): sum over time dim / lengths (no masking)
    pooled = jnp.sum(embedded, axis=1) / query_length[:, None].astype(embedded.dtype)
    return pooled

if __name__ == "__main__":
    import jax
    _d = setup_inputs()
    print(jax.jit(kernel)(*tuple(_d.values())))

</pallas_src>

<mosaic_0001>
#map = affine_map<(d0, d1) -> (0, 0)>
#map1 = affine_map<(d0, d1) -> (0)>
module attributes {stable_mosaic.version = 14 : i64} {
  func.func @k2(%arg0: i32, %arg1: i32, %arg2: memref<8192x128xi32, #tpu.memory_space<hbm>>, %arg3: memref<4096xf32, #tpu.memory_space<hbm>>, %arg4: memref<1000000x128xf32, #tpu.memory_space<hbm>>, %arg5: memref<4096x128xf32, #tpu.memory_space<hbm>>, %arg6: memref<256x128xi32, #tpu.memory_space<vmem>>, %arg7: memref<128xf32, #tpu.memory_space<vmem>>, %arg8: memref<2x200x128xf32, #tpu.memory_space<vmem>>, %arg9: memref<128x128xf32, #tpu.memory_space<vmem>>, %arg10: memref<!tpu.dma_semaphore, #tpu.memory_space<semaphore_mem>>, %arg11: memref<!tpu.dma_semaphore, #tpu.memory_space<semaphore_mem>>, %arg12: memref<!tpu.dma_semaphore, #tpu.memory_space<semaphore_mem>>) attributes {dimension_semantics = [#tpu.dimension_semantics<core_parallel>, #tpu.dimension_semantics<subcore_parallel>], iteration_bounds = array<i64: 2, 16>, scalar_prefetch = 0 : i64, scratch_operands = 7 : i64, tpu.core_type = #tpu.core_type<sc_vector_subcore>, window_params = [{transform_indices = #map}, {transform_indices = #map1}, {transform_indices = #map}, {transform_indices = #map}]} {
    %mul3A = arith.constant 2 : i32
    %mul3A_0 = arith.muli %arg1, %mul3A : i32
    %add3A = arith.addi %mul3A_0, %arg0 : i32
    %mul3A_1 = arith.constant 128 : i32
    %mul3A_2 = arith.muli %add3A, %mul3A_1 : i32
    %mul3A_3 = arith.constant 2 : i32
    %mul3A_4 = arith.muli %mul3A_3, %mul3A_2 : i32
    "tpu.region"() ({
      %run_scoped3A = tpu.sem_alloc : memref<!tpu.dma_semaphore, #tpu.memory_space<semaphore_mem>>
      %dma_start3A_87 = arith.constant 0 : i32
      %dma_start3A_88 = tpu.memref_slice %arg2[%mul3A_4, %dma_start3A_87] : memref<8192x128xi32, #tpu.memory_space<hbm>> -> memref<256x128xi32, #tpu.memory_space<hbm>>
      %dma_start3A_89 = arith.constant 0 : i32
      %dma_start3A_90 = tpu.memref_slice %arg2[%mul3A_4, %dma_start3A_89] : memref<8192x128xi32, #tpu.memory_space<hbm>> -> memref<256x128xi32, #tpu.memory_space<hbm>>
      tpu.enqueue_dma source(%dma_start3A_90 : memref<256x128xi32, #tpu.memory_space<hbm>>) target(%arg6 : memref<256x128xi32, #tpu.memory_space<vmem>>) target_semaphore(%run_scoped3A : memref<!tpu.dma_semaphore, #tpu.memory_space<semaphore_mem>>)
      %dma_wait3A_91 = arith.constant 0 : i32
      %dma_wait3A_92 = tpu.memref_slice %arg2[%mul3A_4, %dma_wait3A_91] : memref<8192x128xi32, #tpu.memory_space<hbm>> -> memref<256x128xi32, #tpu.memory_space<hbm>>
      %dma_wait3A_93 = arith.constant 0 : i32
      %dma_wait3A_94 = tpu.memref_slice %arg2[%mul3A_4, %dma_wait3A_93] : memref<8192x128xi32, #tpu.memory_space<hbm>> -> memref<256x128xi32, #tpu.memory_space<hbm>>
      tpu.wait_dma2 semaphore(%run_scoped3A : memref<!tpu.dma_semaphore, #tpu.memory_space<semaphore_mem>>) src(%dma_wait3A_94 : memref<256x128xi32, #tpu.memory_space<hbm>>) dst(%arg6 : memref<256x128xi32, #tpu.memory_space<vmem>>)
      tpu.yield
    }) : () -> ()
    "tpu.region"() ({
      %run_scoped3A = tpu.sem_alloc : memref<!tpu.dma_semaphore, #tpu.memory_space<semaphore_mem>>
      %dma_start3A_87 = tpu.memref_slice %arg3[%mul3A_2] : memref<4096xf32, #tpu.memory_space<hbm>> -> memref<128xf32, #tpu.memory_space<hbm>>
      %dma_start3A_88 = tpu.memref_slice %arg3[%mul3A_2] : memref<4096xf32, #tpu.memory_space<hbm>> -> memref<128xf32, #tpu.memory_space<hbm>>
      tpu.enqueue_dma source(%dma_start3A_88 : memref<128xf32, #tpu.memory_space<hbm>>) target(%arg7 : memref<128xf32, #tpu.memory_space<vmem>>) target_semaphore(%run_scoped3A : memref<!tpu.dma_semaphore, #tpu.memory_space<semaphore_mem>>)
      %dma_wait3A_89 = tpu.memref_slice %arg3[%mul3A_2] : memref<4096xf32, #tpu.memory_space<hbm>> -> memref<128xf32, #tpu.memory_space<hbm>>
      %dma_wait3A_90 = tpu.memref_slice %arg3[%mul3A_2] : memref<4096xf32, #tpu.memory_space<hbm>> -> memref<128xf32, #tpu.memory_space<hbm>>
      tpu.wait_dma2 semaphore(%run_scoped3A : memref<!tpu.dma_semaphore, #tpu.memory_space<semaphore_mem>>) src(%dma_wait3A_90 : memref<128xf32, #tpu.memory_space<hbm>>) dst(%arg7 : memref<128xf32, #tpu.memory_space<vmem>>)
      tpu.yield
    }) : () -> ()
    %dma_start3A = arith.constant 0 : i32
    %dma_start3A_5 = arith.constant 0 : i32
    %dma_start3A_6 = arith.constant 0 : i32
    %dma_start3A_7 = arith.constant 0 : i32
    %dma_start3A_8 = tpu.memref_slice %arg8[%dma_start3A_5, %dma_start3A_6, %dma_start3A_7] : memref<2x200x128xf32, #tpu.memory_space<vmem>> -> memref<1x100x128xf32, #tpu.memory_space<vmem>>
    %dma_start3A_9 = tpu.memref_squeeze %dma_start3A_8 : memref<1x100x128xf32, #tpu.memory_space<vmem>> -> memref<100x128xf32, #tpu.memory_space<vmem>>
    %dma_start3A_10 = arith.constant 0 : i32
    %dma_start3A_11 = tpu.memref_slice %arg6[%dma_start3A, %dma_start3A_10] : memref<256x128xi32, #tpu.memory_space<vmem>> -> memref<1x100xi32, #tpu.memory_space<vmem>>
    %dma_start3A_12 = tpu.memref_squeeze %dma_start3A_11 : memref<1x100xi32, #tpu.memory_space<vmem>> -> memref<100xi32, #tpu.memory_space<vmem>>
    %dma_start3A_13 = arith.constant 0 : i32
    %dma_start3A_14 = arith.constant 0 : i32
    %dma_start3A_15 = tpu.memref_slice %arg4[%dma_start3A_13, %dma_start3A_14] : memref<1000000x128xf32, #tpu.memory_space<hbm>> -> memref<1000000x128xf32, #tpu.memory_space<hbm>>
    tpu.enqueue_indirect_dma source(%dma_start3A_15 : memref<1000000x128xf32, #tpu.memory_space<hbm>>) target(%dma_start3A_9 : memref<100x128xf32, #tpu.memory_space<vmem>>) offsets(%dma_start3A_12 : memref<100xi32, #tpu.memory_space<vmem>>) semaphore(%arg10 : memref<!tpu.dma_semaphore, #tpu.memory_space<semaphore_mem>>)
    %dma_start3A_16 = arith.constant 1 : i32
    %dma_start3A_17 = arith.constant 0 : i32
    %dma_start3A_18 = arith.constant 100 : i32
    %dma_start3A_19 = arith.constant 0 : i32
    %dma_start3A_20 = tpu.memref_slice %arg8[%dma_start3A_17, %dma_start3A_18, %dma_start3A_19] : memref<2x200x128xf32, #tpu.memory_space<vmem>> -> memref<1x100x128xf32, #tpu.memory_space<vmem>>
    %dma_start3A_21 = tpu.memref_squeeze %dma_start3A_20 : memref<1x100x128xf32, #tpu.memory_space<vmem>> -> memref<100x128xf32, #tpu.memory_space<vmem>>
    %dma_start3A_22 = arith.constant 0 : i32
    %dma_start3A_23 = tpu.memref_slice %arg6[%dma_start3A_16, %dma_start3A_22] : memref<256x128xi32, #tpu.memory_space<vmem>> -> memref<1x100xi32, #tpu.memory_space<vmem>>
    %dma_start3A_24 = tpu.memref_squeeze %dma_start3A_23 : memref<1x100xi32, #tpu.memory_space<vmem>> -> memref<100xi32, #tpu.memory_space<vmem>>
    %dma_start3A_25 = arith.constant 0 : i32
    %dma_start3A_26 = arith.constant 0 : i32
    %dma_start3A_27 = tpu.memref_slice %arg4[%dma_start3A_25, %dma_start3A_26] : memref<1000000x128xf32, #tpu.memory_space<hbm>> -> memref<1000000x128xf32, #tpu.memory_space<hbm>>
    tpu.enqueue_indirect_dma source(%dma_start3A_27 : memref<1000000x128xf32, #tpu.memory_space<hbm>>) target(%dma_start3A_21 : memref<100x128xf32, #tpu.memory_space<vmem>>) offsets(%dma_start3A_24 : memref<100xi32, #tpu.memory_space<vmem>>) semaphore(%arg10 : memref<!tpu.dma_semaphore, #tpu.memory_space<semaphore_mem>>)
    %dma_start3A_28 = arith.constant 2 : i32
    %dma_start3A_29 = arith.constant 1 : i32
    %dma_start3A_30 = arith.constant 0 : i32
    %dma_start3A_31 = arith.constant 0 : i32
    %dma_start3A_32 = tpu.memref_slice %arg8[%dma_start3A_29, %dma_start3A_30, %dma_start3A_31] : memref<2x200x128xf32, #tpu.memory_space<vmem>> -> memref<1x100x128xf32, #tpu.memory_space<vmem>>
    %dma_start3A_33 = tpu.memref_squeeze %dma_start3A_32 : memref<1x100x128xf32, #tpu.memory_space<vmem>> -> memref<100x128xf32, #tpu.memory_space<vmem>>
    %dma_start3A_34 = arith.constant 0 : i32
    %dma_start3A_35 = tpu.memref_slice %arg6[%dma_start3A_28, %dma_start3A_34] : memref<256x128xi32, #tpu.memory_space<vmem>> -> memref<1x100xi32, #tpu.memory_space<vmem>>
    %dma_start3A_36 = tpu.memref_squeeze %dma_start3A_35 : memref<1x100xi32, #tpu.memory_space<vmem>> -> memref<100xi32, #tpu.memory_space<vmem>>
    %dma_start3A_37 = arith.constant 0 : i32
    %dma_start3A_38 = arith.constant 0 : i32
    %dma_start3A_39 = tpu.memref_slice %arg4[%dma_start3A_37, %dma_start3A_38] : memref<1000000x128xf32, #tpu.memory_space<hbm>> -> memref<1000000x128xf32, #tpu.memory_space<hbm>>
    tpu.enqueue_indirect_dma source(%dma_start3A_39 : memref<1000000x128xf32, #tpu.memory_space<hbm>>) target(%dma_start3A_33 : memref<100x128xf32, #tpu.memory_space<vmem>>) offsets(%dma_start3A_36 : memref<100xi32, #tpu.memory_space<vmem>>) semaphore(%arg11 : memref<!tpu.dma_semaphore, #tpu.memory_space<semaphore_mem>>)
    %dma_start3A_40 = arith.constant 3 : i32
    %dma_start3A_41 = arith.constant 1 : i32
    %dma_start3A_42 = arith.constant 100 : i32
    %dma_start3A_43 = arith.constant 0 : i32
    %dma_start3A_44 = tpu.memref_slice %arg8[%dma_start3A_41, %dma_start3A_42, %dma_start3A_43] : memref<2x200x128xf32, #tpu.memory_space<vmem>> -> memref<1x100x128xf32, #tpu.memory_space<vmem>>
    %dma_start3A_45 = tpu.memref_squeeze %dma_start3A_44 : memref<1x100x128xf32, #tpu.memory_space<vmem>> -> memref<100x128xf32, #tpu.memory_space<vmem>>
    %dma_start3A_46 = arith.constant 0 : i32
    %dma_start3A_47 = tpu.memref_slice %arg6[%dma_start3A_40, %dma_start3A_46] : memref<256x128xi32, #tpu.memory_space<vmem>> -> memref<1x100xi32, #tpu.memory_space<vmem>>
    %dma_start3A_48 = tpu.memref_squeeze %dma_start3A_47 : memref<1x100xi32, #tpu.memory_space<vmem>> -> memref<100xi32, #tpu.memory_space<vmem>>
    %dma_start3A_49 = arith.constant 0 : i32
    %dma_start3A_50 = arith.constant 0 : i32
    %dma_start3A_51 = tpu.memref_slice %arg4[%dma_start3A_49, %dma_start3A_50] : memref<1000000x128xf32, #tpu.memory_space<hbm>> -> memref<1000000x128xf32, #tpu.memory_space<hbm>>
    tpu.enqueue_indirect_dma source(%dma_start3A_51 : memref<1000000x128xf32, #tpu.memory_space<hbm>>) target(%dma_start3A_45 : memref<100x128xf32, #tpu.memory_space<vmem>>) offsets(%dma_start3A_48 : memref<100xi32, #tpu.memory_space<vmem>>) semaphore(%arg11 : memref<!tpu.dma_semaphore, #tpu.memory_space<semaphore_mem>>)
    %scan3A = arith.constant 0 : i32
    %scan3A_52 = arith.constant 0 : i32
    %scan3A_53 = arith.constant 64 : i32
    %scan3A_54 = arith.addi %scan3A_52, %scan3A_53 : i32
    %scan3A_55 = arith.constant 1 : i32
    %scan3A_56 = scf.for %scan3A_87 = %scan3A_52 to %scan3A_54 step %scan3A_55 iter_args(%scan3A_88 = %scan3A) -> (i32)  : i32 {
      %mul3A_89 = arith.constant 2 : i32
      %mul3A_90 = arith.muli %scan3A_87, %mul3A_89 : i32
      %add3A_91 = arith.constant 0 : i32
      %add3A_92 = arith.addi %mul3A_90, %add3A_91 : i32
      %dma_wait3A_93 = arith.constant 0 : i32
      %dma_wait3A_94 = arith.constant 0 : i32
      %dma_wait3A_95 = arith.constant 0 : i32
      %dma_wait3A_96 = tpu.memref_slice %arg8[%dma_wait3A_93, %dma_wait3A_94, %dma_wait3A_95] : memref<2x200x128xf32, #tpu.memory_space<vmem>> -> memref<1x200x128xf32, #tpu.memory_space<vmem>>
      %dma_wait3A_97 = tpu.memref_squeeze %dma_wait3A_96 : memref<1x200x128xf32, #tpu.memory_space<vmem>> -> memref<200x128xf32, #tpu.memory_space<vmem>>
      %dma_wait3A_98 = arith.constant 0 : i32
      %dma_wait3A_99 = arith.constant 0 : i32
      %dma_wait3A_100 = tpu.memref_slice %arg4[%dma_wait3A_98, %dma_wait3A_99] : memref<1000000x128xf32, #tpu.memory_space<hbm>> -> memref<200x128xf32, #tpu.memory_space<hbm>>
      %dma_wait3A_101 = arith.constant 0 : i32
      %dma_wait3A_102 = arith.constant 0 : i32
      %dma_wait3A_103 = tpu.memref_slice %arg8[%dma_wait3A_93, %dma_wait3A_101, %dma_wait3A_102] : memref<2x200x128xf32, #tpu.memory_space<vmem>> -> memref<1x200x128xf32, #tpu.memory_space<vmem>>
      %dma_wait3A_104 = tpu.memref_squeeze %dma_wait3A_103 : memref<1x200x128xf32, #tpu.memory_space<vmem>> -> memref<200x128xf32, #tpu.memory_space<vmem>>
      %dma_wait3A_105 = arith.constant 0 : i32
      %dma_wait3A_106 = arith.constant 0 : i32
      %dma_wait3A_107 = tpu.memref_slice %arg4[%dma_wait3A_105, %dma_wait3A_106] : memref<1000000x128xf32, #tpu.memory_space<hbm>> -> memref<200x128xf32, #tpu.memory_space<hbm>>
      tpu.wait_dma2 semaphore(%arg10 : memref<!tpu.dma_semaphore, #tpu.memory_space<semaphore_mem>>) src(%dma_wait3A_107 : memref<200x128xf32, #tpu.memory_space<hbm>>) dst(%dma_wait3A_104 : memref<200x128xf32, #tpu.memory_space<vmem>>)
      %broadcast_in_dim3A = arith.constant 0.000000e+00 : f32
      %broadcast_in_dim3A_108 = vector.broadcast %broadcast_in_dim3A : f32 to vector<16xf32>
      %scan3A_109 = arith.constant 0 : i32
      %scan3A_110 = arith.constant 50 : i32
      %scan3A_111 = arith.addi %scan3A_109, %scan3A_110 : i32
      %scan3A_112 = arith.constant 1 : i32
      %scan3A_113:4 = scf.for %scan3A_297 = %scan3A_109 to %scan3A_111 step %scan3A_112 iter_args(%scan3A_298 = %broadcast_in_dim3A_108, %scan3A_299 = %broadcast_in_dim3A_108, %scan3A_300 = %broadcast_in_dim3A_108, %scan3A_301 = %broadcast_in_dim3A_108) -> (vector<16xf32>, vector<16xf32>, vector<16xf32>, vector<16xf32>)  : i32 {
        %mul3A_302 = arith.constant 4 : i32
        %mul3A_303 = arith.muli %scan3A_297, %mul3A_302 : i32
        %add3A_304 = arith.constant 0 : i32
        %add3A_305 = arith.addi %mul3A_303, %add3A_304 : i32
        %get3A_306 = arith.constant 0 : i32
        %get3A_307 = arith.index_cast %get3A_306 : i32 to index
        %get3A_308 = arith.index_cast %add3A_305 : i32 to index
        %get3A_309 = arith.constant 0 : index
        %get3A_310 = tpu.vector_load %arg8[%get3A_307, %get3A_308, %get3A_309] {strides = array<i32>} : memref<2x200x128xf32, #tpu.memory_space<vmem>>, vector<16xf32>,
        %add3A_311 = arith.addf %scan3A_298, %get3A_310 : vector<16xf32>
        %add3A_312 = arith.constant 0 : i32
        %add3A_313 = arith.addi %mul3A_303, %add3A_312 : i32
        %get3A_314 = arith.constant 0 : i32
        %get3A_315 = arith.index_cast %get3A_314 : i32 to index
        %get3A_316 = arith.index_cast %add3A_313 : i32 to index
        %get3A_317 = arith.constant 16 : index
        %get3A_318 = tpu.vector_load %arg8[%get3A_315, %get3A_316, %get3A_317] {strides = array<i32>} : memref<2x200x128xf32, #tpu.memory_space<vmem>>, vector<16xf32>,
        %add3A_319 = arith.addf %scan3A_299, %get3A_318 : vector<16xf32>
        %add3A_320 = arith.constant 0 : i32
        %add3A_321 = arith.addi %mul3A_303, %add3A_320 : i32
        %get3A_322 = arith.constant 0 : i32
        %get3A_323 = arith.index_cast %get3A_322 : i32 to index
        %get3A_324 = arith.index_cast %add3A_321 : i32 to index
        %get3A_325 = arith.constant 32 : index
        %get3A_326 = tpu.vector_load %arg8[%get3A_323, %get3A_324, %get3A_325] {strides = array<i32>} : memref<2x200x128xf32, #tpu.memory_space<vmem>>, vector<16xf32>,
        %add3A_327 = arith.addf %scan3A_300, %get3A_326 : vector<16xf32>
        %add3A_328 = arith.constant 0 : i32
        %add3A_329 = arith.addi %mul3A_303, %add3A_328 : i32
        %get3A_330 = arith.constant 0 : i32
        %get3A_331 = arith.index_cast %get3A_330 : i32 to index
        %get3A_332 = arith.index_cast %add3A_329 : i32 to index
        %get3A_333 = arith.constant 48 : index
        %get3A_334 = tpu.vector_load %arg8[%get3A_331, %get3A_332, %get3A_333] {strides = array<i32>} : memref<2x200x128xf32, #tpu.memory_space<vmem>>, vector<16xf32>,
        %add3A_335 = arith.addf %scan3A_301, %get3A_334 : vector<16xf32>
        %add3A_336 = arith.constant 1 : i32
        %add3A_337 = arith.addi %mul3A_303, %add3A_336 : i32
        %get3A_338 = arith.constant 0 : i32
        %get3A_339 = arith.index_cast %get3A_338 : i32 to index
        %get3A_340 = arith.index_cast %add3A_337 : i32 to index
        %get3A_341 = arith.constant 0 : index
        %get3A_342 = tpu.vector_load %arg8[%get3A_339, %get3A_340, %get3A_341] {strides = array<i32>} : memref<2x200x128xf32, #tpu.memory_space<vmem>>, vector<16xf32>,
        %add3A_343 = arith.addf %add3A_311, %get3A_342 : vector<16xf32>
        %add3A_344 = arith.constant 1 : i32
        %add3A_345 = arith.addi %mul3A_303, %add3A_344 : i32
        %get3A_346 = arith.constant 0 : i32
        %get3A_347 = arith.index_cast %get3A_346 : i32 to index
        %get3A_348 = arith.index_cast %add3A_345 : i32 to index
        %get3A_349 = arith.constant 16 : index
        %get3A_350 = tpu.vector_load %arg8[%get3A_347, %get3A_348, %get3A_349] {strides = array<i32>} : memref<2x200x128xf32, #tpu.memory_space<vmem>>, vector<16xf32>,
        %add3A_351 = arith.addf %add3A_319, %get3A_350 : vector<16xf32>
        %add3A_352 = arith.constant 1 : i32
        %add3A_353 = arith.addi %mul3A_303, %add3A_352 : i32
        %get3A_354 = arith.constant 0 : i32
        %get3A_355 = arith.index_cast %get3A_354 : i32 to index
        %get3A_356 = arith.index_cast %add3A_353 : i32 to index
        %get3A_357 = arith.constant 32 : index
        %get3A_358 = tpu.vector_load %arg8[%get3A_355, %get3A_356, %get3A_357] {strides = array<i32>} : memref<2x200x128xf32, #tpu.memory_space<vmem>>, vector<16xf32>,
        %add3A_359 = arith.addf %add3A_327, %get3A_358 : vector<16xf32>
        %add3A_360 = arith.constant 1 : i32
        %add3A_361 = arith.addi %mul3A_303, %add3A_360 : i32
        %get3A_362 = arith.constant 0 : i32
        %get3A_363 = arith.index_cast %get3A_362 : i32 to index
        %get3A_364 = arith.index_cast %add3A_361 : i32 to index
        %get3A_365 = arith.constant 48 : index
        %get3A_366 = tpu.vector_load %arg8[%get3A_363, %get3A_364, %get3A_365] {strides = array<i32>} : memref<2x200x128xf32, #tpu.memory_space<vmem>>, vector<16xf32>,
        %add3A_367 = arith.addf %add3A_335, %get3A_366 : vector<16xf32>
        %add3A_368 = arith.constant 2 : i32
        %add3A_369 = arith.addi %mul3A_303, %add3A_368 : i32
        %get3A_370 = arith.constant 0 : i32
        %get3A_371 = arith.index_cast %get3A_370 : i32 to index
        %get3A_372 = arith.index_cast %add3A_369 : i32 to index
        %get3A_373 = arith.constant 0 : index
        %get3A_374 = tpu.vector_load %arg8[%get3A_371, %get3A_372, %get3A_373] {strides = array<i32>} : memref<2x200x128xf32, #tpu.memory_space<vmem>>, vector<16xf32>,
        %add3A_375 = arith.addf %add3A_343, %get3A_374 : vector<16xf32>
        %add3A_376 = arith.constant 2 : i32
        %add3A_377 = arith.addi %mul3A_303, %add3A_376 : i32
        %get3A_378 = arith.constant 0 : i32
        %get3A_379 = arith.index_cast %get3A_378 : i32 to index
        %get3A_380 = arith.index_cast %add3A_377 : i32 to index
        %get3A_381 = arith.constant 16 : index
        %get3A_382 = tpu.vector_load %arg8[%get3A_379, %get3A_380, %get3A_381] {strides = array<i32>} : memref<2x200x128xf32, #tpu.memory_space<vmem>>, vector<16xf32>,
        %add3A_383 = arith.addf %add3A_351, %get3A_382 : vector<16xf32>
        %add3A_384 = arith.constant 2 : i32
        %add3A_385 = arith.addi %mul3A_303, %add3A_384 : i32
        %get3A_386 = arith.constant 0 : i32
        %get3A_387 = arith.index_cast %get3A_386 : i32 to index
        %get3A_388 = arith.index_cast %add3A_385 : i32 to index
        %get3A_389 = arith.constant 32 : index
        %get3A_390 = tpu.vector_load %arg8[%get3A_387, %get3A_388, %get3A_389] {strides = array<i32>} : memref<2x200x128xf32, #tpu.memory_space<vmem>>, vector<16xf32>,
        %add3A_391 = arith.addf %add3A_359, %get3A_390 : vector<16xf32>
        %add3A_392 = arith.constant 2 : i32
        %add3A_393 = arith.addi %mul3A_303, %add3A_392 : i32
        %get3A_394 = arith.constant 0 : i32
        %get3A_395 = arith.index_cast %get3A_394 : i32 to index
        %get3A_396 = arith.index_cast %add3A_393 : i32 to index
        %get3A_397 = arith.constant 48 : index
        %get3A_398 = tpu.vector_load %arg8[%get3A_395, %get3A_396, %get3A_397] {strides = array<i32>} : memref<2x200x128xf32, #tpu.memory_space<vmem>>, vector<16xf32>,
        %add3A_399 = arith.addf %add3A_367, %get3A_398 : vector<16xf32>
        %add3A_400 = arith.constant 3 : i32
        %add3A_401 = arith.addi %mul3A_303, %add3A_400 : i32
        %get3A_402 = arith.constant 0 : i32
        %get3A_403 = arith.index_cast %get3A_402 : i32 to index
        %get3A_404 = arith.index_cast %add3A_401 : i32 to index
        %get3A_405 = arith.constant 0 : index
        %get3A_406 = tpu.vector_load %arg8[%get3A_403, %get3A_404, %get3A_405] {strides = array<i32>} : memref<2x200x128xf32, #tpu.memory_space<vmem>>, vector<16xf32>,
        %add3A_407 = arith.addf %add3A_375, %get3A_406 : vector<16xf32>
        %add3A_408 = arith.constant 3 : i32
        %add3A_409 = arith.addi %mul3A_303, %add3A_408 : i32
        %get3A_410 = arith.constant 0 : i32
        %get3A_411 = arith.index_cast %get3A_410 : i32 to index
        %get3A_412 = arith.index_cast %add3A_409 : i32 to index
        %get3A_413 = arith.constant 16 : index
        %get3A_414 = tpu.vector_load %arg8[%get3A_411, %get3A_412, %get3A_413] {strides = array<i32>} : memref<2x200x128xf32, #tpu.memory_space<vmem>>, vector<16xf32>,
        %add3A_415 = arith.addf %add3A_383, %get3A_414 : vector<16xf32>
        %add3A_416 = arith.constant 3 : i32
        %add3A_417 = arith.addi %mul3A_303, %add3A_416 : i32
        %get3A_418 = arith.constant 0 : i32
        %get3A_419 = arith.index_cast %get3A_418 : i32 to index
        %get3A_420 = arith.index_cast %add3A_417 : i32 to index
        %get3A_421 = arith.constant 32 : index
        %get3A_422 = tpu.vector_load %arg8[%get3A_419, %get3A_420, %get3A_421] {strides = array<i32>} : memref<2x200x128xf32, #tpu.memory_space<vmem>>, vector<16xf32>,
        %add3A_423 = arith.addf %add3A_391, %get3A_422 : vector<16xf32>
        %add3A_424 = arith.constant 3 : i32
        %add3A_425 = arith.addi %mul3A_303, %add3A_424 : i32
        %get3A_426 = arith.constant 0 : i32
        %get3A_427 = arith.index_cast %get3A_426 : i32 to index
        %get3A_428 = arith.index_cast %add3A_425 : i32 to index
        %get3A_429 = arith.constant 48 : index
        %get3A_430 = tpu.vector_load %arg8[%get3A_427, %get3A_428, %get3A_429] {strides = array<i32>} : memref<2x200x128xf32, #tpu.memory_space<vmem>>, vector<16xf32>,
        %add3A_431 = arith.addf %add3A_399, %get3A_430 : vector<16xf32>
        scf.yield %add3A_407, %add3A_415, %add3A_423, %add3A_431 : vector<16xf32>, vector<16xf32>, vector<16xf32>, vector<16xf32>
      }
      %scan3A_114 = arith.constant 50 : i32
      %add3A_115 = arith.constant 2 : i32
      %add3A_116 = arith.addi %add3A_92, %add3A_115 : i32
      %min3A = arith.constant 127 : i32
      %min3A_117 = arith.minsi %add3A_116, %min3A : i32
      %mul3A_118 = arith.constant 2 : i32
      %mul3A_119 = arith.muli %mul3A_118, %min3A_117 : i32
      %dma_start3A_120 = arith.constant 0 : i32
      %dma_start3A_121 = arith.constant 0 : i32
      %dma_start3A_122 = arith.constant 0 : i32
      %dma_start3A_123 = tpu.memref_slice %arg8[%dma_start3A_120, %dma_start3A_121, %dma_start3A_122] : memref<2x200x128xf32, #tpu.memory_space<vmem>> -> memref<1x100x128xf32, #tpu.memory_space<vmem>>
      %dma_start3A_124 = tpu.memref_squeeze %dma_start3A_123 : memref<1x100x128xf32, #tpu.memory_space<vmem>> -> memref<100x128xf32, #tpu.memory_space<vmem>>
      %dma_start3A_125 = arith.constant 0 : i32
      %dma_start3A_126 = tpu.memref_slice %arg6[%mul3A_119, %dma_start3A_125] : memref<256x128xi32, #tpu.memory_space<vmem>> -> memref<1x100xi32, #tpu.memory_space<vmem>>
      %dma_start3A_127 = tpu.memref_squeeze %dma_start3A_126 : memref<1x100xi32, #tpu.memory_space<vmem>> -> memref<100xi32, #tpu.memory_space<vmem>>
      %dma_start3A_128 = arith.constant 0 : i32
      %dma_start3A_129 = arith.constant 0 : i32
      %dma_start3A_130 = tpu.memref_slice %arg4[%dma_start3A_128, %dma_start3A_129] : memref<1000000x128xf32, #tpu.memory_space<hbm>> -> memref<1000000x128xf32, #tpu.memory_space<hbm>>
      tpu.enqueue_indirect_dma source(%dma_start3A_130 : memref<1000000x128xf32, #tpu.memory_space<hbm>>) target(%dma_start3A_124 : memref<100x128xf32, #tpu.memory_space<vmem>>) offsets(%dma_start3A_127 : memref<100xi32, #tpu.memory_space<vmem>>) semaphore(%arg10 : memref<!tpu.dma_semaphore, #tpu.memory_space<semaphore_mem>>)
      %mul3A_131 = arith.constant 2 : i32
      %mul3A_132 = arith.muli %mul3A_131, %min3A_117 : i32
      %add3A_133 = arith.constant 1 : i32
      %add3A_134 = arith.addi %mul3A_132, %add3A_133 : i32
      %dma_start3A_135 = arith.constant 0 : i32
      %dma_start3A_136 = arith.constant 100 : i32
      %dma_start3A_137 = arith.constant 0 : i32
      %dma_start3A_138 = tpu.memref_slice %arg8[%dma_start3A_135, %dma_start3A_136, %dma_start3A_137] : memref<2x200x128xf32, #tpu.memory_space<vmem>> -> memref<1x100x128xf32, #tpu.memory_space<vmem>>
      %dma_start3A_139 = tpu.memref_squeeze %dma_start3A_138 : memref<1x100x128xf32, #tpu.memory_space<vmem>> -> memref<100x128xf32, #tpu.memory_space<vmem>>
      %dma_start3A_140 = arith.constant 0 : i32
      %dma_start3A_141 = tpu.memref_slice %arg6[%add3A_134, %dma_start3A_140] : memref<256x128xi32, #tpu.memory_space<vmem>> -> memref<1x100xi32, #tpu.memory_space<vmem>>
      %dma_start3A_142 = tpu.memref_squeeze %dma_start3A_141 : memref<1x100xi32, #tpu.memory_space<vmem>> -> memref<100xi32, #tpu.memory_space<vmem>>
      %dma_start3A_143 = arith.constant 0 : i32
      %dma_start3A_144 = arith.constant 0 : i32
      %dma_start3A_145 = tpu.memref_slice %arg4[%dma_start3A_143, %dma_start3A_144] : memref<1000000x128xf32, #tpu.memory_space<hbm>> -> memref<1000000x128xf32, #tpu.memory_space<hbm>>
      tpu.enqueue_indirect_dma source(%dma_start3A_145 : memref<1000000x128xf32, #tpu.memory_space<hbm>>) target(%dma_start3A_139 : memref<100x128xf32, #tpu.memory_space<vmem>>) offsets(%dma_start3A_142 : memref<100xi32, #tpu.memory_space<vmem>>) semaphore(%arg10 : memref<!tpu.dma_semaphore, #tpu.memory_space<semaphore_mem>>)
      %jit3A = arith.constant 16 : i32
      %div3A = arith.divsi %add3A_92, %jit3A : i32
      %sign3A = arith.constant 0 : i32
      %sign3A_146 = arith.cmpi sgt, %add3A_92, %sign3A : i32
      %sign3A_147 = arith.extui %sign3A_146 : i1 to i32
      %sign3A_148 = arith.constant 0 : i32
      %sign3A_149 = arith.cmpi slt, %add3A_92, %sign3A_148 : i32
      %sign3A_150 = arith.extui %sign3A_149 : i1 to i32
      %sign3A_151 = arith.subi %sign3A_147, %sign3A_150 : i32
      %sign3A_152 = arith.constant 0 : i32
      %sign3A_153 = arith.cmpi sgt, %jit3A, %sign3A_152 : i32
      %sign3A_154 = arith.extui %sign3A_153 : i1 to i32
      %sign3A_155 = arith.constant 0 : i32
      %sign3A_156 = arith.cmpi slt, %jit3A, %sign3A_155 : i32
      %sign3A_157 = arith.extui %sign3A_156 : i1 to i32
      %sign3A_158 = arith.subi %sign3A_154, %sign3A_157 : i32
      %ne3A = arith.cmpi ne, %sign3A_151, %sign3A_158 : i32
      %rem3A = arith.remsi %add3A_92, %jit3A : i32
      %ne3A_159 = arith.constant 0 : i32
      %ne3A_160 = arith.cmpi ne, %rem3A, %ne3A_159 : i32
      %and3A = arith.andi %ne3A, %ne3A_160 : i1
      %sub3A = arith.constant 1 : i32
      %sub3A_161 = arith.subi %div3A, %sub3A : i32
      %select_n3A = arith.select %and3A, %sub3A_161, %div3A : i32
      %mul3A_162 = arith.constant 16 : i32
      %mul3A_163 = arith.muli %select_n3A, %mul3A_162 : i32
      %get3A = arith.index_cast %mul3A_163 : i32 to index
      %get3A_164 = tpu.vector_load %arg7[%get3A] {strides = array<i32>} : memref<128xf32, #tpu.memory_space<vmem>>, vector<16xf32>,
      %sub3A_165 = arith.subi %add3A_92, %mul3A_163 : i32
      %broadcast_in_dim3A_166 = vector.broadcast %sub3A_165 : i32 to vector<16x1xi32>
      %gather3A = vector.shape_cast %broadcast_in_dim3A_166 : vector<16x1xi32> to vector<16xi32>
      %gather3A_167 = tpu.dynamic_gather %get3A_164[%gather3A] in [0] : vector<16xf32>, vector<16xi32> -> vector<16xf32>
      %div3A_168 = arith.constant 1.000000e+00 : f32
      %div3A_169 = vector.broadcast %div3A_168 : f32 to vector<16xf32>
      %div3A_170 = arith.divf %div3A_169, %gather3A_167 : vector<16xf32>
      %mul3A_171 = arith.mulf %scan3A_113#0, %div3A_170 : vector<16xf32>
      %swap3A = arith.index_cast %add3A_92 : i32 to index
      %swap3A_172 = arith.constant 0 : index
      %swap3A_173 = tpu.vector_load %arg9[%swap3A, %swap3A_172] {strides = array<i32>} : memref<128x128xf32, #tpu.memory_space<vmem>>, vector<16xf32>,
      tpu.vector_store %arg9[%swap3A, %swap3A_172], %mul3A_171 {strides = array<i32>} : memref<128x128xf32, #tpu.memory_space<vmem>>, vector<16xf32>,
      %mul3A_174 = arith.mulf %scan3A_113#1, %div3A_170 : vector<16xf32>
      %swap3A_175 = arith.index_cast %add3A_92 : i32 to index
      %swap3A_176 = arith.constant 16 : index
      %swap3A_177 = tpu.vector_load %arg9[%swap3A_175, %swap3A_176] {strides = array<i32>} : memref<128x128xf32, #tpu.memory_space<vmem>>, vector<16xf32>,
      tpu.vector_store %arg9[%swap3A_175, %swap3A_176], %mul3A_174 {strides = array<i32>} : memref<128x128xf32, #tpu.memory_space<vmem>>, vector<16xf32>,
      %mul3A_178 = arith.mulf %scan3A_113#2, %div3A_170 : vector<16xf32>
      %swap3A_179 = arith.index_cast %add3A_92 : i32 to index
      %swap3A_180 = arith.constant 32 : index
      %swap3A_181 = tpu.vector_load %arg9[%swap3A_179, %swap3A_180] {strides = array<i32>} : memref<128x128xf32, #tpu.memory_space<vmem>>, vector<16xf32>,
      tpu.vector_store %arg9[%swap3A_179, %swap3A_180], %mul3A_178 {strides = array<i32>} : memref<128x128xf32, #tpu.memory_space<vmem>>, vector<16xf32>,
      %mul3A_182 = arith.mulf %scan3A_113#3, %div3A_170 : vector<16xf32>
      %swap3A_183 = arith.index_cast %add3A_92 : i32 to index
      %swap3A_184 = arith.constant 48 : index
      %swap3A_185 = tpu.vector_load %arg9[%swap3A_183, %swap3A_184] {strides = array<i32>} : memref<128x128xf32, #tpu.memory_space<vmem>>, vector<16xf32>,
      tpu.vector_store %arg9[%swap3A_183, %swap3A_184], %mul3A_182 {strides = array<i32>} : memref<128x128xf32, #tpu.memory_space<vmem>>, vector<16xf32>,
      %mul3A_186 = arith.constant 2 : i32
      %mul3A_187 = arith.muli %scan3A_87, %mul3A_186 : i32
      %add3A_188 = arith.constant 1 : i32
      %add3A_189 = arith.addi %mul3A_187, %add3A_188 : i32
      %dma_wait3A_190 = arith.constant 1 : i32
      %dma_wait3A_191 = arith.constant 0 : i32
      %dma_wait3A_192 = arith.constant 0 : i32
      %dma_wait3A_193 = tpu.memref_slice %arg8[%dma_wait3A_190, %dma_wait3A_191, %dma_wait3A_192] : memref<2x200x128xf32, #tpu.memory_space<vmem>> -> memref<1x200x128xf32, #tpu.memory_space<vmem>>
      %dma_wait3A_194 = tpu.memref_squeeze %dma_wait3A_193 : memref<1x200x128xf32, #tpu.memory_space<vmem>> -> memref<200x128xf32, #tpu.memory_space<vmem>>
      %dma_wait3A_195 = arith.constant 0 : i32
      %dma_wait3A_196 = arith.constant 0 : i32
      %dma_wait3A_197 = tpu.memref_slice %arg4[%dma_wait3A_195, %dma_wait3A_196] : memref<1000000x128xf32, #tpu.memory_space<hbm>> -> memref<200x128xf32, #tpu.memory_space<hbm>>
      %dma_wait3A_198 = arith.constant 0 : i32
      %dma_wait3A_199 = arith.constant 0 : i32
      %dma_wait3A_200 = tpu.memref_slice %arg8[%dma_wait3A_190, %dma_wait3A_198, %dma_wait3A_199] : memref<2x200x128xf32, #tpu.memory_space<vmem>> -> memref<1x200x128xf32, #tpu.memory_space<vmem>>
      %dma_wait3A_201 = tpu.memref_squeeze %dma_wait3A_200 : memref<1x200x128xf32, #tpu.memory_space<vmem>> -> memref<200x128xf32, #tpu.memory_space<vmem>>
      %dma_wait3A_202 = arith.constant 0 : i32
      %dma_wait3A_203 = arith.constant 0 : i32
      %dma_wait3A_204 = tpu.memref_slice %arg4[%dma_wait3A_202, %dma_wait3A_203] : memref<1000000x128xf32, #tpu.memory_space<hbm>> -> memref<200x128xf32, #tpu.memory_space<hbm>>
      tpu.wait_dma2 semaphore(%arg11 : memref<!tpu.dma_semaphore, #tpu.memory_space<semaphore_mem>>) src(%dma_wait3A_204 : memref<200x128xf32, #tpu.memory_space<hbm>>) dst(%dma_wait3A_201 : memref<200x128xf32, #tpu.memory_space<vmem>>)
      %broadcast_in_dim3A_205 = arith.constant 0.000000e+00 : f32
      %broadcast_in_dim3A_206 = vector.broadcast %broadcast_in_dim3A_205 : f32 to vector<16xf32>
      %scan3A_207 = arith.constant 0 : i32
      %scan3A_208 = arith.constant 50 : i32
      %scan3A_209 = arith.addi %scan3A_207, %scan3A_208 : i32
      %scan3A_210 = arith.constant 1 : i32
      %scan3A_211:4 = scf.for %scan3A_297 = %scan3A_207 to %scan3A_209 step %scan3A_210 iter_args(%scan3A_298 = %broadcast_in_dim3A_206, %scan3A_299 = %broadcast_in_dim3A_206, %scan3A_300 = %broadcast_in_dim3A_206, %scan3A_301 = %broadcast_in_dim3A_206) -> (vector<16xf32>, vector<16xf32>, vector<16xf32>, vector<16xf32>)  : i32 {
        %mul3A_302 = arith.constant 4 : i32
        %mul3A_303 = arith.muli %scan3A_297, %mul3A_302 : i32
        %add3A_304 = arith.constant 0 : i32
        %add3A_305 = arith.addi %mul3A_303, %add3A_304 : i32
        %get3A_306 = arith.constant 1 : i32
        %get3A_307 = arith.index_cast %get3A_306 : i32 to index
        %get3A_308 = arith.index_cast %add3A_305 : i32 to index
        %get3A_309 = arith.constant 0 : index
        %get3A_310 = tpu.vector_load %arg8[%get3A_307, %get3A_308, %get3A_309] {strides = array<i32>} : memref<2x200x128xf32, #tpu.memory_space<vmem>>, vector<16xf32>,
        %add3A_311 = arith.addf %scan3A_298, %get3A_310 : vector<16xf32>
        %add3A_312 = arith.constant 0 : i32
        %add3A_313 = arith.addi %mul3A_303, %add3A_312 : i32
        %get3A_314 = arith.constant 1 : i32
        %get3A_315 = arith.index_cast %get3A_314 : i32 to index
        %get3A_316 = arith.index_cast %add3A_313 : i32 to index
        %get3A_317 = arith.constant 16 : index
        %get3A_318 = tpu.vector_load %arg8[%get3A_315, %get3A_316, %get3A_317] {strides = array<i32>} : memref<2x200x128xf32, #tpu.memory_space<vmem>>, vector<16xf32>,
        %add3A_319 = arith.addf %scan3A_299, %get3A_318 : vector<16xf32>
        %add3A_320 = arith.constant 0 : i32
        %add3A_321 = arith.addi %mul3A_303, %add3A_320 : i32
        %get3A_322 = arith.constant 1 : i32
        %get3A_323 = arith.index_cast %get3A_322 : i32 to index
        %get3A_324 = arith.index_cast %add3A_321 : i32 to index
        %get3A_325 = arith.constant 32 : index
        %get3A_326 = tpu.vector_load %arg8[%get3A_323, %get3A_324, %get3A_325] {strides = array<i32>} : memref<2x200x128xf32, #tpu.memory_space<vmem>>, vector<16xf32>,
        %add3A_327 = arith.addf %scan3A_300, %get3A_326 : vector<16xf32>
        %add3A_328 = arith.constant 0 : i32
        %add3A_329 = arith.addi %mul3A_303, %add3A_328 : i32
        %get3A_330 = arith.constant 1 : i32
        %get3A_331 = arith.index_cast %get3A_330 : i32 to index
        %get3A_332 = arith.index_cast %add3A_329 : i32 to index
        %get3A_333 = arith.constant 48 : index
        %get3A_334 = tpu.vector_load %arg8[%get3A_331, %get3A_332, %get3A_333] {strides = array<i32>} : memref<2x200x128xf32, #tpu.memory_space<vmem>>, vector<16xf32>,
        %add3A_335 = arith.addf %scan3A_301, %get3A_334 : vector<16xf32>
        %add3A_336 = arith.constant 1 : i32
        %add3A_337 = arith.addi %mul3A_303, %add3A_336 : i32
        %get3A_338 = arith.constant 1 : i32
        %get3A_339 = arith.index_cast %get3A_338 : i32 to index
        %get3A_340 = arith.index_cast %add3A_337 : i32 to index
        %get3A_341 = arith.constant 0 : index
        %get3A_342 = tpu.vector_load %arg8[%get3A_339, %get3A_340, %get3A_341] {strides = array<i32>} : memref<2x200x128xf32, #tpu.memory_space<vmem>>, vector<16xf32>,
        %add3A_343 = arith.addf %add3A_311, %get3A_342 : vector<16xf32>
        %add3A_344 = arith.constant 1 : i32
        %add3A_345 = arith.addi %mul3A_303, %add3A_344 : i32
        %get3A_346 = arith.constant 1 : i32
        %get3A_347 = arith.index_cast %get3A_346 : i32 to index
        %get3A_348 = arith.index_cast %add3A_345 : i32 to index
        %get3A_349 = arith.constant 16 : index
        %get3A_350 = tpu.vector_load %arg8[%get3A_347, %get3A_348, %get3A_349] {strides = array<i32>} : memref<2x200x128xf32, #tpu.memory_space<vmem>>, vector<16xf32>,
        %add3A_351 = arith.addf %add3A_319, %get3A_350 : vector<16xf32>
        %add3A_352 = arith.constant 1 : i32
        %add3A_353 = arith.addi %mul3A_303, %add3A_352 : i32
        %get3A_354 = arith.constant 1 : i32
        %get3A_355 = arith.index_cast %get3A_354 : i32 to index
        %get3A_356 = arith.index_cast %add3A_353 : i32 to index
        %get3A_357 = arith.constant 32 : index
        %get3A_358 = tpu.vector_load %arg8[%get3A_355, %get3A_356, %get3A_357] {strides = array<i32>} : memref<2x200x128xf32, #tpu.memory_space<vmem>>, vector<16xf32>,
        %add3A_359 = arith.addf %add3A_327, %get3A_358 : vector<16xf32>
        %add3A_360 = arith.constant 1 : i32
        %add3A_361 = arith.addi %mul3A_303, %add3A_360 : i32
        %get3A_362 = arith.constant 1 : i32
        %get3A_363 = arith.index_cast %get3A_362 : i32 to index
        %get3A_364 = arith.index_cast %add3A_361 : i32 to index
        %get3A_365 = arith.constant 48 : index
        %get3A_366 = tpu.vector_load %arg8[%get3A_363, %get3A_364, %get3A_365] {strides = array<i32>} : memref<2x200x128xf32, #tpu.memory_space<vmem>>, vector<16xf32>,
        %add3A_367 = arith.addf %add3A_335, %get3A_366 : vector<16xf32>
        %add3A_368 = arith.constant 2 : i32
        %add3A_369 = arith.addi %mul3A_303, %add3A_368 : i32
        %get3A_370 = arith.constant 1 : i32
        %get3A_371 = arith.index_cast %get3A_370 : i32 to index
        %get3A_372 = arith.index_cast %add3A_369 : i32 to index
        %get3A_373 = arith.constant 0 : index
        %get3A_374 = tpu.vector_load %arg8[%get3A_371, %get3A_372, %get3A_373] {strides = array<i32>} : memref<2x200x128xf32, #tpu.memory_space<vmem>>, vector<16xf32>,
        %add3A_375 = arith.addf %add3A_343, %get3A_374 : vector<16xf32>
        %add3A_376 = arith.constant 2 : i32
        %add3A_377 = arith.addi %mul3A_303, %add3A_376 : i32
        %get3A_378 = arith.constant 1 : i32
        %get3A_379 = arith.index_cast %get3A_378 : i32 to index
        %get3A_380 = arith.index_cast %add3A_377 : i32 to index
        %get3A_381 = arith.constant 16 : index
        %get3A_382 = tpu.vector_load %arg8[%get3A_379, %get3A_380, %get3A_381] {strides = array<i32>} : memref<2x200x128xf32, #tpu.memory_space<vmem>>, vector<16xf32>,
        %add3A_383 = arith.addf %add3A_351, %get3A_382 : vector<16xf32>
        %add3A_384 = arith.constant 2 : i32
        %add3A_385 = arith.addi %mul3A_303, %add3A_384 : i32
        %get3A_386 = arith.constant 1 : i32
        %get3A_387 = arith.index_cast %get3A_386 : i32 to index
        %get3A_388 = arith.index_cast %add3A_385 : i32 to index
        %get3A_389 = arith.constant 32 : index
        %get3A_390 = tpu.vector_load %arg8[%get3A_387, %get3A_388, %get3A_389] {strides = array<i32>} : memref<2x200x128xf32, #tpu.memory_space<vmem>>, vector<16xf32>,
        %add3A_391 = arith.addf %add3A_359, %get3A_390 : vector<16xf32>
        %add3A_392 = arith.constant 2 : i32
        %add3A_393 = arith.addi %mul3A_303, %add3A_392 : i32
        %get3A_394 = arith.constant 1 : i32
        %get3A_395 = arith.index_cast %get3A_394 : i32 to index
        %get3A_396 = arith.index_cast %add3A_393 : i32 to index
        %get3A_397 = arith.constant 48 : index
        %get3A_398 = tpu.vector_load %arg8[%get3A_395, %get3A_396, %get3A_397] {strides = array<i32>} : memref<2x200x128xf32, #tpu.memory_space<vmem>>, vector<16xf32>,
        %add3A_399 = arith.addf %add3A_367, %get3A_398 : vector<16xf32>
        %add3A_400 = arith.constant 3 : i32
        %add3A_401 = arith.addi %mul3A_303, %add3A_400 : i32
        %get3A_402 = arith.constant 1 : i32
        %get3A_403 = arith.index_cast %get3A_402 : i32 to index
        %get3A_404 = arith.index_cast %add3A_401 : i32 to index
        %get3A_405 = arith.constant 0 : index
        %get3A_406 = tpu.vector_load %arg8[%get3A_403, %get3A_404, %get3A_405] {strides = array<i32>} : memref<2x200x128xf32, #tpu.memory_space<vmem>>, vector<16xf32>,
        %add3A_407 = arith.addf %add3A_375, %get3A_406 : vector<16xf32>
        %add3A_408 = arith.constant 3 : i32
        %add3A_409 = arith.addi %mul3A_303, %add3A_408 : i32
        %get3A_410 = arith.constant 1 : i32
        %get3A_411 = arith.index_cast %get3A_410 : i32 to index
        %get3A_412 = arith.index_cast %add3A_409 : i32 to index
        %get3A_413 = arith.constant 16 : index
        %get3A_414 = tpu.vector_load %arg8[%get3A_411, %get3A_412, %get3A_413] {strides = array<i32>} : memref<2x200x128xf32, #tpu.memory_space<vmem>>, vector<16xf32>,
        %add3A_415 = arith.addf %add3A_383, %get3A_414 : vector<16xf32>
        %add3A_416 = arith.constant 3 : i32
        %add3A_417 = arith.addi %mul3A_303, %add3A_416 : i32
        %get3A_418 = arith.constant 1 : i32
        %get3A_419 = arith.index_cast %get3A_418 : i32 to index
        %get3A_420 = arith.index_cast %add3A_417 : i32 to index
        %get3A_421 = arith.constant 32 : index
        %get3A_422 = tpu.vector_load %arg8[%get3A_419, %get3A_420, %get3A_421] {strides = array<i32>} : memref<2x200x128xf32, #tpu.memory_space<vmem>>, vector<16xf32>,
        %add3A_423 = arith.addf %add3A_391, %get3A_422 : vector<16xf32>
        %add3A_424 = arith.constant 3 : i32
        %add3A_425 = arith.addi %mul3A_303, %add3A_424 : i32
        %get3A_426 = arith.constant 1 : i32
        %get3A_427 = arith.index_cast %get3A_426 : i32 to index
        %get3A_428 = arith.index_cast %add3A_425 : i32 to index
        %get3A_429 = arith.constant 48 : index
        %get3A_430 = tpu.vector_load %arg8[%get3A_427, %get3A_428, %get3A_429] {strides = array<i32>} : memref<2x200x128xf32, #tpu.memory_space<vmem>>, vector<16xf32>,
        %add3A_431 = arith.addf %add3A_399, %get3A_430 : vector<16xf32>
        scf.yield %add3A_407, %add3A_415, %add3A_423, %add3A_431 : vector<16xf32>, vector<16xf32>, vector<16xf32>, vector<16xf32>
      }
      %scan3A_212 = arith.constant 50 : i32
      %add3A_213 = arith.constant 2 : i32
      %add3A_214 = arith.addi %add3A_189, %add3A_213 : i32
      %min3A_215 = arith.constant 127 : i32
      %min3A_216 = arith.minsi %add3A_214, %min3A_215 : i32
      %mul3A_217 = arith.constant 2 : i32
      %mul3A_218 = arith.muli %mul3A_217, %min3A_216 : i32
      %dma_start3A_219 = arith.constant 1 : i32
      %dma_start3A_220 = arith.constant 0 : i32
      %dma_start3A_221 = arith.constant 0 : i32
      %dma_start3A_222 = tpu.memref_slice %arg8[%dma_start3A_219, %dma_start3A_220, %dma_start3A_221] : memref<2x200x128xf32, #tpu.memory_space<vmem>> -> memref<1x100x128xf32, #tpu.memory_space<vmem>>
      %dma_start3A_223 = tpu.memref_squeeze %dma_start3A_222 : memref<1x100x128xf32, #tpu.memory_space<vmem>> -> memref<100x128xf32, #tpu.memory_space<vmem>>
      %dma_start3A_224 = arith.constant 0 : i32
      %dma_start3A_225 = tpu.memref_slice %arg6[%mul3A_218, %dma_start3A_224] : memref<256x128xi32, #tpu.memory_space<vmem>> -> memref<1x100xi32, #tpu.memory_space<vmem>>
      %dma_start3A_226 = tpu.memref_squeeze %dma_start3A_225 : memref<1x100xi32, #tpu.memory_space<vmem>> -> memref<100xi32, #tpu.memory_space<vmem>>
      %dma_start3A_227 = arith.constant 0 : i32
      %dma_start3A_228 = arith.constant 0 : i32
      %dma_start3A_229 = tpu.memref_slice %arg4[%dma_start3A_227, %dma_start3A_228] : memref<1000000x128xf32, #tpu.memory_space<hbm>> -> memref<1000000x128xf32, #tpu.memory_space<hbm>>
      tpu.enqueue_indirect_dma source(%dma_start3A_229 : memref<1000000x128xf32, #tpu.memory_space<hbm>>) target(%dma_start3A_223 : memref<100x128xf32, #tpu.memory_space<vmem>>) offsets(%dma_start3A_226 : memref<100xi32, #tpu.memory_space<vmem>>) semaphore(%arg11 : memref<!tpu.dma_semaphore, #tpu.memory_space<semaphore_mem>>)
      %mul3A_230 = arith.constant 2 : i32
      %mul3A_231 = arith.muli %mul3A_230, %min3A_216 : i32
      %add3A_232 = arith.constant 1 : i32
      %add3A_233 = arith.addi %mul3A_231, %add3A_232 : i32
      %dma_start3A_234 = arith.constant 1 : i32
      %dma_start3A_235 = arith.constant 100 : i32
      %dma_start3A_236 = arith.constant 0 : i32
      %dma_start3A_237 = tpu.memref_slice %arg8[%dma_start3A_234, %dma_start3A_235, %dma_start3A_236] : memref<2x200x128xf32, #tpu.memory_space<vmem>> -> memref<1x100x128xf32, #tpu.memory_space<vmem>>
      %dma_start3A_238 = tpu.memref_squeeze %dma_start3A_237 : memref<1x100x128xf32, #tpu.memory_space<vmem>> -> memref<100x128xf32, #tpu.memory_space<vmem>>
      %dma_start3A_239 = arith.constant 0 : i32
      %dma_start3A_240 = tpu.memref_slice %arg6[%add3A_233, %dma_start3A_239] : memref<256x128xi32, #tpu.memory_space<vmem>> -> memref<1x100xi32, #tpu.memory_space<vmem>>
      %dma_start3A_241 = tpu.memref_squeeze %dma_start3A_240 : memref<1x100xi32, #tpu.memory_space<vmem>> -> memref<100xi32, #tpu.memory_space<vmem>>
      %dma_start3A_242 = arith.constant 0 : i32
      %dma_start3A_243 = arith.constant 0 : i32
      %dma_start3A_244 = tpu.memref_slice %arg4[%dma_start3A_242, %dma_start3A_243] : memref<1000000x128xf32, #tpu.memory_space<hbm>> -> memref<1000000x128xf32, #tpu.memory_space<hbm>>
      tpu.enqueue_indirect_dma source(%dma_start3A_244 : memref<1000000x128xf32, #tpu.memory_space<hbm>>) target(%dma_start3A_238 : memref<100x128xf32, #tpu.memory_space<vmem>>) offsets(%dma_start3A_241 : memref<100xi32, #tpu.memory_space<vmem>>) semaphore(%arg11 : memref<!tpu.dma_semaphore, #tpu.memory_space<semaphore_mem>>)
      %jit3A_245 = arith.constant 16 : i32
      %div3A_246 = arith.divsi %add3A_189, %jit3A_245 : i32
      %sign3A_247 = arith.constant 0 : i32
      %sign3A_248 = arith.cmpi sgt, %add3A_189, %sign3A_247 : i32
      %sign3A_249 = arith.extui %sign3A_248 : i1 to i32
      %sign3A_250 = arith.constant 0 : i32
      %sign3A_251 = arith.cmpi slt, %add3A_189, %sign3A_250 : i32
      %sign3A_252 = arith.extui %sign3A_251 : i1 to i32
      %sign3A_253 = arith.subi %sign3A_249, %sign3A_252 : i32
      %sign3A_254 = arith.constant 0 : i32
      %sign3A_255 = arith.cmpi sgt, %jit3A_245, %sign3A_254 : i32
      %sign3A_256 = arith.extui %sign3A_255 : i1 to i32
      %sign3A_257 = arith.constant 0 : i32
      %sign3A_258 = arith.cmpi slt, %jit3A_245, %sign3A_257 : i32
      %sign3A_259 = arith.extui %sign3A_258 : i1 to i32
      %sign3A_260 = arith.subi %sign3A_256, %sign3A_259 : i32
      %ne3A_261 = arith.cmpi ne, %sign3A_253, %sign3A_260 : i32
      %rem3A_262 = arith.remsi %add3A_189, %jit3A_245 : i32
      %ne3A_263 = arith.constant 0 : i32
      %ne3A_264 = arith.cmpi ne, %rem3A_262, %ne3A_263 : i32
      %and3A_265 = arith.andi %ne3A_261, %ne3A_264 : i1
      %sub3A_266 = arith.constant 1 : i32
      %sub3A_267 = arith.subi %div3A_246, %sub3A_266 : i32
      %select_n3A_268 = arith.select %and3A_265, %sub3A_267, %div3A_246 : i32
      %mul3A_269 = arith.constant 16 : i32
      %mul3A_270 = arith.muli %select_n3A_268, %mul3A_269 : i32
      %get3A_271 = arith.index_cast %mul3A_270 : i32 to index
      %get3A_272 = tpu.vector_load %arg7[%get3A_271] {strides = array<i32>} : memref<128xf32, #tpu.memory_space<vmem>>, vector<16xf32>,
      %sub3A_273 = arith.subi %add3A_189, %mul3A_270 : i32
      %broadcast_in_dim3A_274 = vector.broadcast %sub3A_273 : i32 to vector<16x1xi32>
      %gather3A_275 = vector.shape_cast %broadcast_in_dim3A_274 : vector<16x1xi32> to vector<16xi32>
      %gather3A_276 = tpu.dynamic_gather %get3A_272[%gather3A_275] in [0] : vector<16xf32>, vector<16xi32> -> vector<16xf32>
      %div3A_277 = arith.constant 1.000000e+00 : f32
      %div3A_278 = vector.broadcast %div3A_277 : f32 to vector<16xf32>
      %div3A_279 = arith.divf %div3A_278, %gather3A_276 : vector<16xf32>
      %mul3A_280 = arith.mulf %scan3A_211#0, %div3A_279 : vector<16xf32>
      %swap3A_281 = arith.index_cast %add3A_189 : i32 to index
      %swap3A_282 = arith.constant 0 : index
      %swap3A_283 = tpu.vector_load %arg9[%swap3A_281, %swap3A_282] {strides = array<i32>} : memref<128x128xf32, #tpu.memory_space<vmem>>, vector<16xf32>,
      tpu.vector_store %arg9[%swap3A_281, %swap3A_282], %mul3A_280 {strides = array<i32>} : memref<128x128xf32, #tpu.memory_space<vmem>>, vector<16xf32>,
      %mul3A_284 = arith.mulf %scan3A_211#1, %div3A_279 : vector<16xf32>
      %swap3A_285 = arith.index_cast %add3A_189 : i32 to index
      %swap3A_286 = arith.constant 16 : index
      %swap3A_287 = tpu.vector_load %arg9[%swap3A_285, %swap3A_286] {strides = array<i32>} : memref<128x128xf32, #tpu.memory_space<vmem>>, vector<16xf32>,
      tpu.vector_store %arg9[%swap3A_285, %swap3A_286], %mul3A_284 {strides = array<i32>} : memref<128x128xf32, #tpu.memory_space<vmem>>, vector<16xf32>,
      %mul3A_288 = arith.mulf %scan3A_211#2, %div3A_279 : vector<16xf32>
      %swap3A_289 = arith.index_cast %add3A_189 : i32 to index
      %swap3A_290 = arith.constant 32 : index
      %swap3A_291 = tpu.vector_load %arg9[%swap3A_289, %swap3A_290] {strides = array<i32>} : memref<128x128xf32, #tpu.memory_space<vmem>>, vector<16xf32>,
      tpu.vector_store %arg9[%swap3A_289, %swap3A_290], %mul3A_288 {strides = array<i32>} : memref<128x128xf32, #tpu.memory_space<vmem>>, vector<16xf32>,
      %mul3A_292 = arith.mulf %scan3A_211#3, %div3A_279 : vector<16xf32>
      %swap3A_293 = arith.index_cast %add3A_189 : i32 to index
      %swap3A_294 = arith.constant 48 : index
      %swap3A_295 = tpu.vector_load %arg9[%swap3A_293, %swap3A_294] {strides = array<i32>} : memref<128x128xf32, #tpu.memory_space<vmem>>, vector<16xf32>,
      tpu.vector_store %arg9[%swap3A_293, %swap3A_294], %mul3A_292 {strides = array<i32>} : memref<128x128xf32, #tpu.memory_space<vmem>>, vector<16xf32>,
      %scan3A_296 = arith.constant 0 : i32
      scf.yield %scan3A_296 : i32
    }
    %scan3A_57 = arith.constant 64 : i32
    %dma_wait3A = arith.constant 0 : i32
    %dma_wait3A_58 = arith.constant 0 : i32
    %dma_wait3A_59 = arith.constant 0 : i32
    %dma_wait3A_60 = tpu.memref_slice %arg8[%dma_wait3A, %dma_wait3A_58, %dma_wait3A_59] : memref<2x200x128xf32, #tpu.memory_space<vmem>> -> memref<1x200x128xf32, #tpu.memory_space<vmem>>
    %dma_wait3A_61 = tpu.memref_squeeze %dma_wait3A_60 : memref<1x200x128xf32, #tpu.memory_space<vmem>> -> memref<200x128xf32, #tpu.memory_space<vmem>>
    %dma_wait3A_62 = arith.constant 0 : i32
    %dma_wait3A_63 = arith.constant 0 : i32
    %dma_wait3A_64 = tpu.memref_slice %arg4[%dma_wait3A_62, %dma_wait3A_63] : memref<1000000x128xf32, #tpu.memory_space<hbm>> -> memref<200x128xf32, #tpu.memory_space<hbm>>
    %dma_wait3A_65 = arith.constant 0 : i32
    %dma_wait3A_66 = arith.constant 0 : i32
    %dma_wait3A_67 = tpu.memref_slice %arg8[%dma_wait3A, %dma_wait3A_65, %dma_wait3A_66] : memref<2x200x128xf32, #tpu.memory_space<vmem>> -> memref<1x200x128xf32, #tpu.memory_space<vmem>>
    %dma_wait3A_68 = tpu.memref_squeeze %dma_wait3A_67 : memref<1x200x128xf32, #tpu.memory_space<vmem>> -> memref<200x128xf32, #tpu.memory_space<vmem>>
    %dma_wait3A_69 = arith.constant 0 : i32
    %dma_wait3A_70 = arith.constant 0 : i32
    %dma_wait3A_71 = tpu.memref_slice %arg4[%dma_wait3A_69, %dma_wait3A_70] : memref<1000000x128xf32, #tpu.memory_space<hbm>> -> memref<200x128xf32, #tpu.memory_space<hbm>>
    tpu.wait_dma2 semaphore(%arg10 : memref<!tpu.dma_semaphore, #tpu.memory_space<semaphore_mem>>) src(%dma_wait3A_71 : memref<200x128xf32, #tpu.memory_space<hbm>>) dst(%dma_wait3A_68 : memref<200x128xf32, #tpu.memory_space<vmem>>)
    %dma_wait3A_72 = arith.constant 1 : i32
    %dma_wait3A_73 = arith.constant 0 : i32
    %dma_wait3A_74 = arith.constant 0 : i32
    %dma_wait3A_75 = tpu.memref_slice %arg8[%dma_wait3A_72, %dma_wait3A_73, %dma_wait3A_74] : memref<2x200x128xf32, #tpu.memory_space<vmem>> -> memref<1x200x128xf32, #tpu.memory_space<vmem>>
    %dma_wait3A_76 = tpu.memref_squeeze %dma_wait3A_75 : memref<1x200x128xf32, #tpu.memory_space<vmem>> -> memref<200x128xf32, #tpu.memory_space<vmem>>
    %dma_wait3A_77 = arith.constant 0 : i32
    %dma_wait3A_78 = arith.constant 0 : i32
    %dma_wait3A_79 = tpu.memref_slice %arg4[%dma_wait3A_77, %dma_wait3A_78] : memref<1000000x128xf32, #tpu.memory_space<hbm>> -> memref<200x128xf32, #tpu.memory_space<hbm>>
    %dma_wait3A_80 = arith.constant 0 : i32
    %dma_wait3A_81 = arith.constant 0 : i32
    %dma_wait3A_82 = tpu.memref_slice %arg8[%dma_wait3A_72, %dma_wait3A_80, %dma_wait3A_81] : memref<2x200x128xf32, #tpu.memory_space<vmem>> -> memref<1x200x128xf32, #tpu.memory_space<vmem>>
    %dma_wait3A_83 = tpu.memref_squeeze %dma_wait3A_82 : memref<1x200x128xf32, #tpu.memory_space<vmem>> -> memref<200x128xf32, #tpu.memory_space<vmem>>
    %dma_wait3A_84 = arith.constant 0 : i32
    %dma_wait3A_85 = arith.constant 0 : i32
    %dma_wait3A_86 = tpu.memref_slice %arg4[%dma_wait3A_84, %dma_wait3A_85] : memref<1000000x128xf32, #tpu.memory_space<hbm>> -> memref<200x128xf32, #tpu.memory_space<hbm>>
    tpu.wait_dma2 semaphore(%arg11 : memref<!tpu.dma_semaphore, #tpu.memory_space<semaphore_mem>>) src(%dma_wait3A_86 : memref<200x128xf32, #tpu.memory_space<hbm>>) dst(%dma_wait3A_83 : memref<200x128xf32, #tpu.memory_space<vmem>>)
    "tpu.region"() ({
      %run_scoped3A = tpu.sem_alloc : memref<!tpu.dma_semaphore, #tpu.memory_space<semaphore_mem>>
      %dma_start3A_87 = arith.constant 0 : i32
      %dma_start3A_88 = tpu.memref_slice %arg5[%mul3A_2, %dma_start3A_87] : memref<4096x128xf32, #tpu.memory_space<hbm>> -> memref<128x128xf32, #tpu.memory_space<hbm>>
      %dma_start3A_89 = arith.constant 0 : i32
      %dma_start3A_90 = tpu.memref_slice %arg5[%mul3A_2, %dma_start3A_89] : memref<4096x128xf32, #tpu.memory_space<hbm>> -> memref<128x128xf32, #tpu.memory_space<hbm>>
      tpu.enqueue_dma source(%arg9 : memref<128x128xf32, #tpu.memory_space<vmem>>) target(%dma_start3A_90 : memref<128x128xf32, #tpu.memory_space<hbm>>) target_semaphore(%run_scoped3A : memref<!tpu.dma_semaphore, #tpu.memory_space<semaphore_mem>>)
      %dma_wait3A_91 = arith.constant 0 : i32
      %dma_wait3A_92 = tpu.memref_slice %arg5[%mul3A_2, %dma_wait3A_91] : memref<4096x128xf32, #tpu.memory_space<hbm>> -> memref<128x128xf32, #tpu.memory_space<hbm>>
      %dma_wait3A_93 = arith.constant 0 : i32
      %dma_wait3A_94 = tpu.memref_slice %arg5[%mul3A_2, %dma_wait3A_93] : memref<4096x128xf32, #tpu.memory_space<hbm>> -> memref<128x128xf32, #tpu.memory_space<hbm>>
      tpu.wait_dma2 semaphore(%run_scoped3A : memref<!tpu.dma_semaphore, #tpu.memory_space<semaphore_mem>>) src(%arg9 : memref<128x128xf32, #tpu.memory_space<vmem>>) dst(%dma_wait3A_94 : memref<128x128xf32, #tpu.memory_space<hbm>>)
      tpu.yield
    }) : () -> ()
    return
  }
}

module attributes {stable_mosaic.version = 14 : i64} {
  func.func @body(%arg0: i32, %arg1: memref<64x16384xf32, #tpu.memory_space<vmem>>, %arg2: memref<16384x128xf32, #tpu.memory_space<vmem>>) attributes {dimension_semantics = [#tpu.dimension_semantics<arbitrary>], iteration_bounds = array<i64: 62>, scalar_prefetch = 0 : i64, scratch_operands = 0 : i64, tpu.core_type = #tpu.core_type<tc>, window_params = [{transform_indices = @transform_0, window_bounds = array<i64: 64, 16384>}, {transform_indices = @transform_1, window_bounds = array<i64: 16384, 128>}]} {
    %get3A = arith.constant 0 : index
    %get3A_0 = arith.constant 0 : index
    %get3A_1 = vector.load %arg1[%get3A, %get3A_0] : memref<64x16384xf32, #tpu.memory_space<vmem>>, vector<64x16384xf32>
    %transpose3A = tpu.transpose %get3A_1, [1, 0] : vector<64x16384xf32> -> vector<16384x64xf32>
    %concatenate3A = tpu.concatenate %transpose3A, %transpose3A in 1 : vector<16384x64xf32>, vector<16384x64xf32> -> vector<16384x128xf32>
    %swap3A = arith.constant 0 : index
    %swap3A_2 = arith.constant 0 : index
    %swap3A_3 = vector.load %arg2[%swap3A, %swap3A_2] : memref<16384x128xf32, #tpu.memory_space<vmem>>, vector<16384x128xf32>
    tpu.vector_store %arg2[%swap3A, %swap3A_2], %concatenate3A {strides = array<i32>} : memref<16384x128xf32, #tpu.memory_space<vmem>>, vector<16384x128xf32>,
    return
  }
  func.func @transform_0(%arg0: i32) -> (i32, i32) {
    %c0_i32 = arith.constant 0 : i32
    %c0_i32_0 = arith.constant 0 : i32
    return %c0_i32, %arg0 : i32, i32
  }
  func.func @transform_1(%arg0: i32) -> (i32, i32) {
    %c0_i32 = arith.constant 0 : i32
    %c0_i32_0 = arith.constant 0 : i32
    return %arg0, %c0_i32 : i32, i32
  }
}

</mosaic_0001>

<sc_bundles>
// kernel: kernel.4.cloned.1.call-start
scs
__scs_entry_jumppad:
0x0: {  	(pc) =	sbr.rel $0x88, $3  }
0x1: {  	(tag) =	ssettag $0x0;
	lr =	simm.s32 $0x1  }
0x2: {  	[smem:$0x3F9E] =	sst lr;
	_ =	strace $0xD0000000  }
0x3: {  	_ = 	snop  }
0x4: {  	_ = 	snop  }
0x5: {  	_ = 	snop  }
0x6: {  	_ = 	snop  }
0x7: {  	_ = 	snop  }
__scs_overlays_trampoline_lowered:
0x8: {  	[smem:$0x3FAD] =	sst s0  }
0x9: {  	[smem:$0x3FAE] =	sst s1  }
0xa: {  	[smem:$0x3FAF] =	sst s2  }
0xb: {  	[smem:$0x3FB0] =	sst s3  }
0xc: {  	[smem:$0x3FB1] =	sst s4  }
0xd: {  	[smem:$0x3FB2] =	sst s5  }
0xe: {  	[smem:$0x3FB3] =	sst s6  }
0xf: {  	[smem:$0x3FB4] =	sst s7  }
0x10: {  	[smem:$0x3FB5] =	sst s8  }
0x11: {  	[smem:$0x3FB6] =	sst s9;
	s0 =	simm.s32 @!p0 $0x0  }
0x12: {  	s1 =	sld [smem:$0x3F9C];
	s0 =	simm.s32 @p0 $0x1  }
0x13: {  	[smem:$0x3FB7] =	sst s0;
	s0 =	simm.s32 @!p1 $0x0  }
0x14: {  	s2 =	sld [smem:$0x3F9B];
	s0 =	simm.s32 @p1 $0x1  }
0x15: {  	[smem:$0x3FB8] =	sst s0;
	s0 =	simm.s32 @!p2 $0x0  }
0x16: {  	s3 =	sld [smem:$0x3FDB];
	s0 =	simm.s32 @p2 $0x1  }
0x17: {  	s4 =	simm.s32 $0x1BF5;
	[smem:$0x3FBA] =	sst s0  }
0x18: {  	s0 =	sld [smem:$0x3F9D];
	_ =	swait.ge [sflag:s4], $0x0  }
0x19: {  	s7 =	sld [smem:$0x3F9E]  }
0x1a: {  	s8 =	sadd.s32 $0xFFFFE003, lr  }
0x1b: {  	s9 =	sadd.s32 $0xFFFFFEF7, lr;
	s5 =	simm.s32 $0xFFFFFFFF;
	p2 =	slt.u32 s8, $0xFFFFF086  }
0x1c: {  	p1 =	slt.u32 s9, $0xF7A;
	s5 =	simm.s32 @!p2 $0x0  }
0x1d: {  	s5 =	simm.s32 @p1 $0x1;
	p0 =	seq.s32 s7, s2  }
0x1e: {  	s7 =	smul.u32 @!p0 $0xF7A, s2;
	p2 =	seq.s32 @!p0 s5, $0x0  }
0x1f: {  	s9 =	smul.u32 $0xF7A, s1;
	s8 =	simm.s32 @!p0 $0x1BF5;
	p2 =	por !p2, p0  }
0x20: {  	[sflag:s8] =	ssyncset.s32 @!p0 $0xFFFFF086;
	s6 =	sadd.s32 @!p0 s3, s7;
	s7 =	simm.s32 @!p0 $0x108  }
0x21: {  	s3 =	sadd.s32 s3, s9;
	s6 =	sadd.s32 @!p0 $0x88, s6;
	s7 =	simm.s32 @p2 $0x1082  }
0x22: {  	[simem:s7], [sflag:s8] =	dma.local @!p0 [hbm:s6], $0xF7A  }
0x23: {  	s9 =	sor.u32 $0xD0000000, s2;
	s6 =	simm.s32 $0x108;
	_ =	swait.ge @!p0 [sflag:s8], $0x0  }
0x24: {  	s3 =	sadd.s32 $0x88, s3;
	s6 =	simm.s32 @!p1 $0x1082;
	[sflag:s4] =	ssyncset.s32 $0xFFFFF086  }
0x25: {  	[simem:s6], [sflag:s4] =	dma.local [hbm:s3], $0xF7A  }
0x26: {  	[smem:$0x3F9E] =	sst s1;
	(tag) =	ssettag s2;
	_ =	strace s9  }
0x27: {  	s1 =	sld [smem:$0x3FAE]  }
0x28: {  	s2 =	sld [smem:$0x3FAF]  }
0x29: {  	s4 =	sld [smem:$0x3FB1]  }
0x2a: {  	p0 =	seq.s32 s5, $0x0;
	s5 =	sld [smem:$0x3FB2]  }
0x2b: {  	s6 =	sld [smem:$0x3FB3]  }
0x2c: {  	s7 =	sld [smem:$0x3FB4]  }
0x2d: {  	s3 =	simm.s32 $0x108;
	s8 =	sld [smem:$0x3FB5]  }
0x2e: {  	s3 =	simm.s32 @!p0 $0x1082;
	s9 =	sld [smem:$0x3FB6]  }
0x2f: {  	lr =	sadd.s32 s0, s3;
	s0 =	sld [smem:$0x3FAD]  }
0x30: {  	s3 =	sld [smem:$0x3FB0]  }
0x31: {  	[smem:$0x3FB9] =	sst s10  }
0x32: {  	s10 =	sld [smem:$0x3FB7];
	_ =	sdelay $0x3  }
0x33: {  	p0 =	seq.s32 s10, $0x1;
	s10 =	sld [smem:$0x3FB9];
	_ =	sdelay $0x3  }
0x34: {  	[smem:$0x3FB9] =	sst s10  }
0x35: {  	s10 =	sld [smem:$0x3FB8];
	_ =	sdelay $0x3  }
0x36: {  	p1 =	seq.s32 s10, $0x1;
	s10 =	sld [smem:$0x3FB9];
	_ =	sdelay $0x3  }
0x37: {  	[smem:$0x3FB9] =	sst s10  }
0x38: {  	s10 =	sld [smem:$0x3FBA]  }
0x39: {  	_ = 	snop;
	(pc) =	sbr.ind lr, $3  }
0x3a: {  	_ = 	snop  }
0x3b: {  	_ = 	snop  }
0x3c: {  	p2 =	seq.s32 s10, $0x1;
	s10 =	sld [smem:$0x3FB9]  }
0x3d: {  	_ =	shalt  }
0x3e: {  	_ =	shalt  }
0x3f: {  	_ =	shalt  }
0x40: {  	_ =	shalt  }
0x41: {  	_ =	shalt  }
0x42: {  	_ =	shalt  }
0x43: {  	_ =	shalt  }
0x44: {  	_ =	shalt  }
0x45: {  	_ =	shalt  }
0x46: {  	_ =	shalt  }
0x47: {  	_ =	shalt  }
0x48: {  	_ =	shalt  }
0x49: {  	_ =	shalt  }
0x4a: {  	_ =	shalt  }
0x4b: {  	_ =	shalt  }
0x4c: {  	_ =	shalt  }
0x4d: {  	_ =	shalt  }
0x4e: {  	_ =	shalt  }
0x4f: {  	_ =	shalt  }
0x50: {  	_ =	shalt  }
0x51: {  	_ =	shalt  }
0x52: {  	_ =	shalt  }
0x53: {  	_ =	shalt  }
0x54: {  	_ =	shalt  }
0x55: {  	_ =	shalt  }
0x56: {  	_ =	shalt  }
0x57: {  	_ =	shalt  }
0x58: {  	_ =	shalt  }
0x59: {  	_ =	shalt  }
0x5a: {  	_ =	shalt  }
0x5b: {  	_ =	shalt  }
0x5c: {  	_ =	shalt  }
0x5d: {  	_ =	shalt  }
0x5e: {  	_ =	shalt  }
0x5f: {  	_ =	shalt  }
0x60: {  	_ =	shalt  }
0x61: {  	_ =	shalt  }
0x62: {  	_ =	shalt  }
0x63: {  	_ =	shalt  }
0x64: {  	_ =	shalt  }
0x65: {  	_ =	shalt  }
0x66: {  	_ =	shalt  }
0x67: {  	_ =	shalt  }
0x68: {  	_ =	shalt  }
0x69: {  	_ =	shalt  }
0x6a: {  	_ =	shalt  }
0x6b: {  	_ =	shalt  }
0x6c: {  	_ =	shalt  }
0x6d: {  	_ =	shalt  }
0x6e: {  	_ =	shalt  }
0x6f: {  	_ =	shalt  }
0x70: {  	_ =	shalt  }
0x71: {  	_ =	shalt  }
0x72: {  	_ =	shalt  }
0x73: {  	_ =	shalt  }
0x74: {  	_ =	shalt  }
0x75: {  	_ =	shalt  }
0x76: {  	_ =	shalt  }
0x77: {  	_ =	shalt  }
0x78: {  	_ =	shalt  }
0x79: {  	_ =	shalt  }
0x7a: {  	_ =	shalt  }
0x7b: {  	_ =	shalt  }
0x7c: {  	_ =	shalt  }
0x7d: {  	_ =	shalt  }
0x7e: {  	_ =	shalt  }
0x7f: {  	_ =	shalt  }
0x80: {  	_ =	shalt  }
0x81: {  	_ =	shalt  }
0x82: {  	_ =	shalt  }
0x83: {  	_ =	shalt  }
0x84: {  	_ =	shalt  }
0x85: {  	_ =	shalt  }
0x86: {  	_ =	shalt  }
0x87: {  	_ =	shalt  }
.Lfunc_end0:
.L_simem_size_0:
called_computation_lowered:
.L_overlay_start_0:
0x88: {  	s2 =	sld [smem:$0x3FD9]  }
0x89: {  	s3 =	sld [smem:$0x3FFE];
	_ =	sdelay $0x1  }
0x8a: {  	s1 =	srdreg.scid  }
0x8b: {  	s0 =	sand.u32 $0x1, s1  }
0x8c: {  	s17 =	sshll.u32 s0, $0xA;
	s2 =	sadd.s32 s3, s2  }
0x8d: {  	s2 =	sadd.s32 s2, s17  }
0x8e: {  	[smem:$0x3FC5] =	sst s2  }
0x8f: {  	_ = 	snop  }
0x90: {  	s2 =	sld [smem:$0x3FD0];
	(tm) =	ssettm $0x1  }
0x91: {  	s18 =	sld [smem:$0x3FFB];
	_ =	sdelay $0x3  }
0x92: {  	_ =	strace s18  }
0x93: {  	s3 =	sld [smem:$0x3FFC];
	_ =	sdelay $0x3  }
0x94: {  	_ =	strace s3  }
0x95: {  	s3 =	sld [smem:$0x3FFD];
	_ =	sdelay $0x3  }
0x96: {  	_ =	strace s3  }
0x97: {  	_ =	strace $0x8FFFFFFF  }
0x98: {  	s19 =	sld [smem:$0x3FDB];
	_ =	sdelay $0x1  }
0x99: {  	s4 =	simm.s32 $_scs_section_size  }
0x9a: {  	s5 =	simm.s32 $_size__tile_overlayer_lowered;
	s6 =	simm.s32 $_tile_overlayer_lowered  }
0x9b: {  	s22 =	simm.s32 $0x1BFF;
	s21 =	sshll.u32 s6, $0x1;
	s3 =	sadd.s32 s4, s19  }
0x9c: {  	s7 =	simm.s32 $0x0;
	s20 =	sshll.u32 s5, $0x1;
	s5 =	sadd.s32 s21, s3  }
0x9d: {  	[timem:s7], [sflag:s22] =	dma.local [hbm:s5], s20  }
0x9e: {  	_ =	swait.ge [sflag:s22], s20  }
0x9f: {  	s4 =	ssub.s32 $0x0, s20;
	[sflag:s22] =	ssyncset.done $0x0  }
0xa0: {  	[sflag:s22] =	ssyncadd.s32 s4;
	_ =	sdelay $0x1  }
0xa1: {  	s23 =	simm.s32 $0x1B8B  }
0xa2: {  	_ =	swait.ge [sflag:s23], $0x1  }
0xa3: {  	[sflag:s23] =	ssyncset.done $0x0  }
0xa4: {  	s25 =	simm.s32 $0x1B8E;
	s24 =	sld [smem:$0x3FFE];
	[sflag:s23] =	ssyncadd.s32 $0xFFFFFFFF  }
0xa5: {  	s26 =	simm.s32 $execute0_lowered;
	[smem:$0x3FD2] =	sst s25  }
0xa6: {  	s5 =	sshll.u32 s26, $0x1;
	_ =	strace $0x80000046;
	[dreg:$0x1] =	wrdreg $0xFFFFFFFF  }
0xa7: {  	s28 =	simm.s32 $_size_execute0_lowered;
	s3 =	sadd.s32 s3, s5;
	[dreg:$0x0] =	wrdreg $0x0  }
0xa8: {  	s5 =	sshll.u32 s28, $0x1;
	[dreg:$0x2] =	wrdreg s3  }
0xa9: {  	[dreg:$0x3] =	wrdreg s5  }
0xaa: {  	[dreg:$0x4] =	wrdreg $0xC0  }
0xab: {  	_ =	task [dreg:s7], $0x5FFFF  }
0xac: {  	[dreg:$0x1] =	wrdreg $0xFFFFFFFF  }
0xad: {  	[dreg:$0x0] =	wrdreg $0x60  }
0xae: {  	[dreg:$0x2] =	wrdreg s24  }
0xaf: {  	[dreg:$0x3] =	wrdreg s2  }
0xb0: {  	[dreg:$0x4] =	wrdreg $0x9  }
0xb1: {  	_ =	task.clear_ibuf [dreg:s7], $0x5FFFF;
	_ =	strace $0x90000046  }
0xb2: {  	s29 =	simm.s32 $0x9;
	_ =	strace $0x80000048  }
0xb3: {  	_ =	swait.ge [sflag:s29], $0x1  }
0xb4: {  	[sflag:s29] =	ssyncadd.s32 $0xFFFFFFFF  }
0xb5: {  	_ =	strace $0x90000048  }
0xb6: {  	_ =	sfence  }
0xb7: {  	s30 =	sld [smem:$0x0];
	_ =	sdelay $0x2  }
0xb8: {  	s31 =	sshll.u32 s1, $0xD;
	s1 =	sshrl.u32 s1, $0x2  }
0xb9: {  	s3 =	sand.u32 $0x4000, s31;
	s1 =	sadd.s32 s1, s30  }
0xba: {  	s0 =	sor.u32 s3, s0;
	s1 =	sshll.u32 s1, $0x11  }
0xbb: {  	s0 =	sor.u32 s1, s0  }
0xbc: {  	s0 =	sadd.s32 $0x8F2B, s0  }
0xbd: {  	[sflag:s0] =	ssyncadd.remote.s32 $0x1  }
0xbe: {  	_ =	sfence.sel $0xFFFF  }
0xbf: {  	[dreg:$0x0] =	wrdreg $0xFFFFFFFF;
	(pc) =	sbr.abs _section_cstart, $3  }
0xc0: {  	[dreg:$0x1] =	wrdreg $0xFFFFFFFF  }
0xc1: {  	_ =	task.clear_ibuf [dreg:s7], $0x2FFFF;
	_ =	strace $0x9FFFFFFF  }
0xc2: {  	(tm) =	ssettm $0x7FFFFFFF  }
0xc3: {  	_ =	shalt  }
tec
execute0_lowered:
.L_overlay_start_1:
0x0: {  	(tag) =	ssettag $0x1  }
0x1: {  	s4 =	rddreg [dreg:$0x0];
	s1 =	srdreg.scid  }
0x2: {  	s0 =	stileid.u32;
	s5 =	rddreg [dreg:$0x1];
	s2 =	simm.s32 $0x0  }
0x3: {  	s11 =	simm.s32 $0x8080;
	s12 =	simm.s32 $0x80;
	s13 =	simm.s32 $0xB280  }
0x4: {  	s14 =	simm.s32 $0x100;
	s15 =	simm.s32 $0xE480;
	s16 =	simm.s32 $0x180  }
0x5: {  	s17 =	simm.s32 $0x11680;
	s18 =	simm.s32 $0x1;
	s19 =	simm.s32 $0x2  }
0x6: {  	s20 =	simm.s32 $0x14880;
	s3 =	sand.u32 $0x1, s1;
	s1 =	rddreg [dreg:$0x2]  }
0x7: {  	s21 =	simm.s32 $0x0;
	s6 =	sshll.u32 s0, $0x1;
	[smem:$0x7FF] =	sst s2  }
0x8: {  	s6 =	sor.u32 s3, s6;
	_ =	strace $0x80000047;
	s8 =	ssub.s32 $0x2, s3  }
0x9: {  	s3 =	sadd.s32 $0x20600, s4;
	s7 =	sshll.u32 s6, $0xC;
	s9 =	sshll.u32 s6, $0xB  }
0xa: {  	s10 =	sshrl.u32 s8, $0x1;
	s6 =	sshll.u32 s6, $0x4;
	s7 =	sadd.s32 s7, s4  }
0xb: {  	s9 =	sadd.s32 s9, s4;
	s8 =	ssub.s32 s8, s10;
	s5 =	sadd.s32 s5, s6  }
0xc: {  	s10 =	simm.s32 $0x64;
	s4 =	sadd.s32 $0x600, s7;
	s6 =	sadd.s32 $0xF62A00, s9  }
0xd: {  	s7 =	smax.u32 s8, $0x1;
	s8 =	simm.s32 $0x3;
	s9 =	simm.s32 $0x8000  }
.LBB2_1:
0xe: {  	[tilespmem:s2], [sflag:$0x3] =	stream.linear.gather [hbm4b:s4+s2], $0x8000, $0x38;
	[tilespmem:$0x18880] =	vst v63  }
0xf: {  	_ =	swait.ge [sflag:s8], $0x8000  }
0x10: {  	[sflag:s8] =	ssyncset.done $0x0  }
0x11: {  	[sflag:s8] =	ssyncadd.s32 $0xFFFF8000  }
0x12: {  	[tilespmem:s9], [sflag:$0x3] =	stream.linear.gather [hbm4b:s5+s2], $0x80, $0x38;
	[tilespmem:$0x18880] =	vst v63  }
0x13: {  	_ =	swait.ge [sflag:s8], $0x80  }
0x14: {  	[sflag:s8] =	ssyncset.done $0x0  }
0x15: {  	[sflag:s8] =	ssyncadd.s32 $0xFFFFFF80  }
0x16: {  	[tilespmem:s11], [sflag:$0x1] =	stream.indirect.gather [hbm4b:s3+s10], $0x80, s2, s10, $0xb8;
	[tilespmem:$0x18880] =	vst v63  }
0x17: {  	_ = 	snop  }
0x18: {  	[tilespmem:s13], [sflag:$0x1] =	stream.indirect.gather [hbm4b:s3+s10], $0x80, s12, s10, $0xb8;
	[tilespmem:$0x18880] =	vst v63  }
0x19: {  	_ = 	snop  }
0x1a: {  	[tilespmem:s15], [sflag:$0x2] =	stream.indirect.gather [hbm4b:s3+s10], $0x80, s14, s10, $0xb8;
	[tilespmem:$0x18880] =	vst v63  }
0x1b: {  	s22 =	simm.s32 $0x0  }
0x1c: {  	[tilespmem:s17], [sflag:$0x2] =	stream.indirect.gather [hbm4b:s3+s10], $0x80, s16, s10, $0xb8;
	[tilespmem:$0x18880] =	vst v63  }
.LBB2_2:
0x1d: {  	_ =	swait.ge [sflag:s18], $0x6400  }
0x1e: {  	[sflag:s18] =	ssyncset.done $0x0  }
0x1f: {  	s24 =	simm.s32 $0x0;
	[sflag:s18] =	ssyncadd.s32 $0xFFFF9C00  }
0x20: {  	v0 =	vld [tilespmem:s24+$0x8200]  }
0x21: {  	v1 =	vld [tilespmem:s24+$0x8210]  }
0x22: {  	v2 =	vld [tilespmem:s24+$0x8180]  }
0x23: {  	v3 =	vld [tilespmem:s24+$0x8190]  }
0x24: {  	v4 =	vld [tilespmem:s24+$0x8100]  }
0x25: {  	v5 =	vld [tilespmem:s24+$0x8110]  }
0x26: {  	v10 =	vld [tilespmem:s24+$0x8080]  }
0x27: {  	v6 =	vimm.f32 $0.0e+00;
	v12 =	vld [tilespmem:s24+$0x8090]  }
0x28: {  	s23 =	simm.s32 $0x800;
	v8 =	vimm.f32 $0.0e+00;
	v9 =	vimm.f32 $0.0e+00;
	v7 =	vimm.f32 $0.0e+00;
	v11 =	vld [tilespmem:s24+$0x80A0]  }
.LBB2_3:
0x29: {  	p0 =	sne.s32 s23, $0x18800;
	v13 =	vld [tilespmem:s24+$0x80B0]  }
0x2a: {  	v14 =	vld [tilespmem:s24+$0x8120]  }
0x2b: {  	v15 =	vld [tilespmem:s24+$0x8130]  }
0x2c: {  	v16 =	vld [tilespmem:s24+$0x81A0]  }
0x2d: {  	v6 =	vadd.f32 v10, v6;
	v8 =	vadd.f32 v12, v8;
	v10 =	vld [tilespmem:s24+$0x81B0]  }
0x2e: {  	v9 =	vadd.f32 v11, v9;
	v7 =	vadd.f32 v13, v7;
	v11 =	vld [tilespmem:s24+$0x8220]  }
0x2f: {  	v4 =	vadd.f32 v4, v6;
	v5 =	vadd.f32 v5, v8;
	v12 =	vld [tilespmem:s24+$0x8230];
	s24 =	sshra.s32 s23, $0x2  }
0x30: {  	v6 =	vadd.f32 v14, v9;
	v13 =	vld [tilespmem:s24+$0x8200];
	v7 =	vadd.f32 v15, v7  }
0x31: {  	v4 =	vadd.f32 v2, v4;
	v5 =	vadd.f32 v3, v5;
	v14 =	vld [tilespmem:s24+$0x8210]  }
0x32: {  	v9 =	vadd.f32 v16, v6;
	v2 =	vld [tilespmem:s24+$0x8180];
	v7 =	vadd.f32 v10, v7  }
0x33: {  	v6 =	vadd.f32 v0, v4;
	v8 =	vadd.f32 v1, v5;
	v3 =	vld [tilespmem:s24+$0x8190]  }
.Ltmp0:
0x34: {  	v9 =	vadd.f32 v11, v9;
	v4 =	vld [tilespmem:s24+$0x8100];
	v7 =	vadd.f32 v12, v7;
	(pc) =	sbr.rel @p0 .LBB2_3-.Ltmp0, $4  }
0x35: {  	v5 =	vld [tilespmem:s24+$0x8110];
	v0 =	vmov v13  }
0x36: {  	v10 =	vld [tilespmem:s24+$0x8080];
	v1 =	vmov v14  }
0x37: {  	v12 =	vld [tilespmem:s24+$0x8090]  }
0x38: {  	s23 =	sadd.s32 $0x800, s23;
	v11 =	vld [tilespmem:s24+$0x80A0]  }
0x39: {  	v13 =	vld [tilespmem:s24+$0x80B0]  }
0x3a: {  	v14 =	vld [tilespmem:s24+$0x8120]  }
0x3b: {  	v15 =	vld [tilespmem:s24+$0x8130];
	s23 =	sshll.u32 s22, $0x1  }
0x3c: {  	v16 =	vld [tilespmem:s24+$0x81A0];
	s25 =	smin.u32 s23, $0x7D  }
0x3d: {  	v17 =	vld [tilespmem:s24+$0x81B0];
	s25 =	sshll.u32 s25, $0x8  }
0x3e: {  	v18 =	vld [tilespmem:s24+$0x8220];
	s29 =	sadd.s32 $0x200, s25  }
0x3f: {  	v19 =	vld [tilespmem:s24+$0x8230];
	[tilespmem:s11], [sflag:$0x1] =	stream.indirect.gather [hbm4b:s3+s10], $0x80, s29, s10, $0xb8  }
0x40: {  	s24 =	sand.u32 $0x70, s23;
	s30 =	sadd.s32 $0x280, s25  }
0x41: {  	[tilespmem:s13], [sflag:$0x1] =	stream.indirect.gather [hbm4b:s3+s10], $0x80, s30, s10, $0xb8;
	[tilespmem:$0x18880] =	vst v63  }
0x42: {  	v20 =	vld [tilespmem:s24+$0x8000];
	_ =	sdelay $0x3  }
0x43: {  	v21 =	vmov s23  }
0x44: {  	v20 =	vperm.xlane v20, v21;
	_ =	sdelay $0x1  }
0x45: {  	(erf) = vrcp.f32 v20  }
0x46: {  	v8 =	vadd.f32 v12, v8  }
0x47: {  	v6 =	vadd.f32 v10, v6  }
0x48: {  	v5 =	vadd.f32 v5, v8  }
0x49: {  	v9 =	vadd.f32 v11, v9;
	v4 =	vadd.f32 v4, v6  }
0x4a: {  	v6 =	vadd.f32 v13, v7;
	v3 =	vadd.f32 v3, v5  }
0x4b: {  	v7 =	vadd.f32 v14, v9;
	v2 =	vadd.f32 v2, v4  }
0x4c: {  	v4 =	vadd.f32 v15, v6  }
0x4d: {  	v5 =	vadd.f32 v16, v7;
	v0 =	vadd.f32 v0, v2  }
0x4e: {  	v2 =	vadd.f32 v17, v4;
	v1 =	vadd.f32 v1, v3;
	v3 =	vpop (erf)  }
0x4f: {  	s31 =	sshll.u32 s22, $0x8;
	v4 =	vadd.f32 v18, v5;
	v0 =	vmul.f32 v3, v0  }
0x50: {  	s25 =	sand.u32 $0x3FFFFF00, s31;
	v2 =	vadd.f32 v19, v2;
	v1 =	vmul.f32 v3, v1  }
0x51: {  	[tilespmem:s25+$0x14880] =	vst v0;
	v0 =	vmul.f32 v3, v4  }
0x52: {  	[tilespmem:s25+$0x14890] =	vst v1;
	v1 =	vmul.f32 v3, v2  }
0x53: {  	[tilespmem:s25+$0x148A0] =	vst v0  }
0x54: {  	[tilespmem:s25+$0x148B0] =	vst v1  }
0x55: {  	_ =	swait.ge [sflag:s19], $0x6400  }
0x56: {  	[sflag:s19] =	ssyncset.done $0x0  }
0x57: {  	s25 =	simm.s32 $0x0;
	[sflag:s19] =	ssyncadd.s32 $0xFFFF9C00  }
0x58: {  	v0 =	vld [tilespmem:s25+$0xE600]  }
0x59: {  	v1 =	vld [tilespmem:s25+$0xE610]  }
0x5a: {  	v2 =	vld [tilespmem:s25+$0xE580]  }
0x5b: {  	v3 =	vld [tilespmem:s25+$0xE590]  }
0x5c: {  	v4 =	vld [tilespmem:s25+$0xE500]  }
0x5d: {  	v5 =	vld [tilespmem:s25+$0xE510]  }
0x5e: {  	v10 =	vld [tilespmem:s25+$0xE480]  }
0x5f: {  	v8 =	vimm.f32 $0.0e+00;
	v12 =	vld [tilespmem:s25+$0xE490]  }
0x60: {  	s26 =	simm.s32 $0x800;
	v9 =	vimm.f32 $0.0e+00;
	v6 =	vimm.f32 $0.0e+00;
	v7 =	vimm.f32 $0.0e+00;
	v11 =	vld [tilespmem:s25+$0xE4A0]  }
.LBB2_5:
0x61: {  	p0 =	sne.s32 s26, $0x18800;
	v13 =	vld [tilespmem:s25+$0xE4B0]  }
0x62: {  	v14 =	vld [tilespmem:s25+$0xE520]  }
0x63: {  	v15 =	vld [tilespmem:s25+$0xE530]  }
0x64: {  	v16 =	vld [tilespmem:s25+$0xE5A0]  }
0x65: {  	v6 =	vadd.f32 v10, v6;
	v8 =	vadd.f32 v12, v8;
	v10 =	vld [tilespmem:s25+$0xE5B0]  }
0x66: {  	v9 =	vadd.f32 v11, v9;
	v7 =	vadd.f32 v13, v7;
	v11 =	vld [tilespmem:s25+$0xE620]  }
0x67: {  	v4 =	vadd.f32 v4, v6;
	v5 =	vadd.f32 v5, v8;
	v12 =	vld [tilespmem:s25+$0xE630];
	s25 =	sshra.s32 s26, $0x2  }
0x68: {  	v6 =	vadd.f32 v14, v9;
	v13 =	vld [tilespmem:s25+$0xE600];
	v7 =	vadd.f32 v15, v7  }
0x69: {  	v4 =	vadd.f32 v2, v4;
	v5 =	vadd.f32 v3, v5;
	v14 =	vld [tilespmem:s25+$0xE610]  }
0x6a: {  	v9 =	vadd.f32 v16, v6;
	v2 =	vld [tilespmem:s25+$0xE580];
	v7 =	vadd.f32 v10, v7  }
0x6b: {  	v6 =	vadd.f32 v0, v4;
	v8 =	vadd.f32 v1, v5;
	v3 =	vld [tilespmem:s25+$0xE590]  }
.Ltmp1:
0x6c: {  	v9 =	vadd.f32 v11, v9;
	v4 =	vld [tilespmem:s25+$0xE500];
	v7 =	vadd.f32 v12, v7;
	(pc) =	sbr.rel @p0 .LBB2_5-.Ltmp1, $4  }
0x6d: {  	v5 =	vld [tilespmem:s25+$0xE510];
	v0 =	vmov v13  }
0x6e: {  	v10 =	vld [tilespmem:s25+$0xE480];
	v1 =	vmov v14  }
0x6f: {  	v12 =	vld [tilespmem:s25+$0xE490]  }
0x70: {  	s26 =	sadd.s32 $0x800, s26;
	v11 =	vld [tilespmem:s25+$0xE4A0]  }
0x71: {  	v13 =	vld [tilespmem:s25+$0xE4B0]  }
0x72: {  	v14 =	vld [tilespmem:s25+$0xE520]  }
0x73: {  	v15 =	vld [tilespmem:s25+$0xE530]  }
0x74: {  	v16 =	vld [tilespmem:s25+$0xE5A0];
	s26 =	smin.u32 s23, $0x7C  }
0x75: {  	v17 =	vld [tilespmem:s25+$0xE5B0];
	s26 =	sshll.u32 s26, $0x8  }
0x76: {  	v18 =	vld [tilespmem:s25+$0xE620];
	s28 =	sadd.s32 $0x300, s26  }
0x77: {  	v19 =	vld [tilespmem:s25+$0xE630];
	[tilespmem:s15], [sflag:$0x2] =	stream.indirect.gather [hbm4b:s3+s10], $0x80, s28, s10, $0xb8  }
0x78: {  	s29 =	sadd.s32 $0x380, s26  }
0x79: {  	[tilespmem:s17], [sflag:$0x2] =	stream.indirect.gather [hbm4b:s3+s10], $0x80, s29, s10, $0xb8;
	[tilespmem:$0x18880] =	vst v63  }
0x7a: {  	v20 =	vld [tilespmem:s24+$0x8000];
	_ =	sdelay $0x1  }
0x7b: {  	s30 =	sor.u32 $0x1, s23  }
0x7c: {  	s31 =	ssub.s32 s30, s24  }
0x7d: {  	v21 =	vmov s31  }
0x7e: {  	v20 =	vperm.xlane v20, v21;
	_ =	sdelay $0x1  }
0x7f: {  	(erf) = vrcp.f32 v20;
	_ =	sdelay $0x1  }
0x80: {  	v6 =	vadd.f32 v10, v6  }
0x81: {  	v8 =	vadd.f32 v12, v8  }
0x82: {  	v9 =	vadd.f32 v11, v9;
	v4 =	vadd.f32 v4, v6  }
0x83: {  	v55 =	vadd.f32 v13, v7;
	v5 =	vadd.f32 v5, v8  }
0x84: {  	v56 =	vadd.f32 v14, v9;
	v2 =	vadd.f32 v2, v4  }
0x85: {  	v57 =	vadd.f32 v15, v55;
	v3 =	vadd.f32 v3, v5  }
0x86: {  	v58 =	vadd.f32 v16, v56;
	v0 =	vadd.f32 v0, v2  }
0x87: {  	s22 =	sadd.s32 $0x1, s22;
	v59 =	vadd.f32 v17, v57;
	v1 =	vadd.f32 v1, v3;
	v60 =	vpop (erf)  }
0x88: {  	s23 =	sshll.u32 s30, $0x7;
	p0 =	sne.s32 s22, $0x40;
	v61 =	vadd.f32 v18, v58;
	v0 =	vmul.f32 v60, v0  }
.Ltmp2:
0x89: {  	s23 =	sand.u32 $0x3FFFFF80, s23;
	v2 =	vadd.f32 v19, v59;
	v1 =	vmul.f32 v60, v1;
	(pc) =	sbr.rel @p0 .LBB2_2-.Ltmp2, $4  }
0x8a: {  	v62 =	vmul.f32 v60, v61;
	[tilespmem:s23+$0x14880] =	vst v0  }
0x8b: {  	v63 =	vmul.f32 v60, v2;
	[tilespmem:s23+$0x14890] =	vst v1  }
0x8c: {  	[tilespmem:s23+$0x148A0] =	vst v62  }
0x8d: {  	[tilespmem:s23+$0x148B0] =	vst v63  }
0x8e: {  	_ =	swait.ge [sflag:s18], $0x6400  }
0x8f: {  	[sflag:s18] =	ssyncset.done $0x0  }
0x90: {  	[sflag:s18] =	ssyncadd.s32 $0xFFFF9C00  }
0x91: {  	s21 =	sadd.s32 $0x1, s21;
	_ =	swait.ge [sflag:s19], $0x6400  }
0x92: {  	p0 =	sne.s32 s21, s7;
	[sflag:s19] =	ssyncset.done $0x0  }
.Ltmp3:
0x93: {  	[sflag:s19] =	ssyncadd.s32 $0xFFFF9C00;
	(pc) =	sbr.rel @p0 .LBB2_1-.Ltmp3, $4  }
0x94: {  	[hbm4b:s6+s2] =	stream.linear.scatter [tilespmem:s20], [sflag:$0x3], $0x4000, $0x38;
	[tilespmem:$0x18880] =	vst v63  }
0x95: {  	_ =	swait.ge [sflag:s8], $0x4000  }
0x96: {  	[sflag:s8] =	ssyncset.done $0x0  }
0x97: {  	[sflag:s8] =	ssyncadd.s32 $0xFFFFC000  }
0x98: {  	_ =	sfence.sel $0x180000  }
0x99: {  	[bflag:$0x0] =	sbarrier.arrive $0xFFFF  }
0x9a: {  	p0 =	sne.s32 s0, $0x0;
	_ =	strace $0x90000047  }
0x9b: {  	s0 =	sadd.s32 @!p0 $0x100000, s1;
	[bflag:$0x2] =	sbarrier.arrive $0xFFFF  }
0x9c: {  	[sflag:s0] =	ssyncadd.tile.s32 @!p0 $0x1;
	_ =	shalt  }
.Lfunc_end2:
_tile_overlayer_lowered:
.L_overlay_start_2:
0x9d: {  	(tag) =	ssettag $0x2  }
0x9e: {  	s0 =	rddreg [dreg:$0x0];
	s2 =	stileid.u32  }
0x9f: {  	s1 =	rddreg [dreg:$0x1];
	p0 =	sne.s32 s2, $0x0  }
0xa0: {  	s3 =	rddreg [dreg:$0x2];
	[bflag:$0x3] =	sbarrier.arrive $0xFFFF;
	s2 =	simm.s32 @!p0 $0x1C03  }
0xa1: {  	[timem:s3], [sflag:s2] =	dma.local @!p0 [hbm:s0], s1  }
0xa2: {  	s0 =	simm.s32 @!p0 $0x3  }
0xa3: {  	_ =	swait.ge @!p0 [sflag:s0], s1  }
0xa4: {  	s1 =	ssub.s32 @!p0 $0x0, s1;
	[sflag:s0] =	ssyncset.done @!p0 $0x0  }
0xa5: {  	[sflag:s0] =	ssyncadd.s32 @!p0 s1  }
0xa6: {  	[bflag:$0x3] =	sbarrier.arrive $0xFFFF  }
0xa7: {  	_ =	shalt  }

</sc_bundles>
